<compile_context>
chip_gen: v7x
topology: tpu7x:2x2x1
jax: 0.10.2.dev20260603
libtpu: 0.0.44.dev20260713+nightly
codegen_flags: <defaults>
</compile_context>

<pallas_src>
import functools

import jax
import jax.numpy as jnp
from jax import lax
from jax.experimental import pallas as pl
from jax.experimental.pallas import tpu as pltpu
from jax.experimental.pallas import tpu_sc as plsc

_NF = 2048
_OUT = 64
_ROWS_PER_TILE = 64


def _sc_mask_body(hands_hbm, mask_hbm, buf, mbuf):
    wid = lax.axis_index("s") * 2 + lax.axis_index("c")
    blk = wid // 2
    half = wid % 2
    pltpu.sync_copy(hands_hbm.at[:, pl.ds(blk * 128, 128)], buf)
    lane = lax.iota(jnp.int32, 16)
    for cc in range(4):
        c0 = half * 64 + cc * 16

        def fstep(f7, acc):
            for k in range(7):
                acc = jnp.maximum(
                    acc,
                    plsc.load_gather(
                        buf, [jnp.full((16,), f7 * 7 + k, jnp.int32), lane + c0]
                    ),
                )
            return acc

        acc = lax.fori_loop(0, 18, fstep, jnp.zeros((16,), jnp.float32))
        mbuf[pl.ds(cc * 16, 16)] = (acc > 0.0).astype(jnp.int32)
    pltpu.sync_copy(mbuf, mask_hbm.at[pl.ds(wid * _ROWS_PER_TILE, _ROWS_PER_TILE)])


@functools.cache
def _sc_mask():
    return pl.kernel(
        _sc_mask_body,
        out_type=jax.ShapeDtypeStruct((_NF,), jnp.int32),
        mesh=plsc.VectorSubcoreMesh(core_axis_name="c", subcore_axis_name="s"),
        scratch_types=[
            pltpu.VMEM((126, 128), jnp.float32),
            pltpu.VMEM((_ROWS_PER_TILE,), jnp.int32),
        ],
        compiler_params=pltpu.CompilerParams(needs_layout_passes=False),
    )


def _tc_pool_body(v3_ref, mask_ref, out_ref, out_i_ref, lips_s, rest_s, sem1, sem2):
    cp1 = pltpu.make_async_copy(v3_ref.at[:, pl.ds(0, 40), :], lips_s, sem1)
    cp1.start()
    cp2 = pltpu.make_async_copy(v3_ref.at[:, pl.ds(464, 79), :], rest_s, sem2)
    cp2.start()
    mf = (mask_ref[...] > 0).astype(jnp.float32)
    p = mf
    d = 1
    while d < _NF:
        shifted = jnp.concatenate(
            [jnp.zeros((1, d), jnp.float32), p[:, : _NF - d]], axis=1
        )
        p = p + shifted
        d *= 2
    K = jnp.sum(mf)
    k = p - 1.0
    L = jnp.where(k <= 0.0, 0.0, 2.0 * k + 32.0)
    U = jnp.where(k >= 2047.0, 4159.0, 2.0 * k + 33.0)
    ovec = lax.broadcasted_iota(jnp.int32, (_OUT, 1), 0).astype(jnp.float32) * 65.0
    lo = jnp.maximum(ovec, L)
    hi = jnp.minimum(ovec + 64.0, U)
    c = jnp.maximum(hi - lo + 1.0, 0.0)
    wgm = c * mf * (1.0 / 65.0)
    lk = jnp.where(K == 0.0, 0.0, jnp.where(K >= 2048.0, 4160.0, 2.0 * K + 32.0))
    ol = lax.broadcasted_iota(jnp.int32, (1, _OUT), 1).astype(jnp.float32) * 65.0
    tt = jnp.maximum((ol + 64.0) - jnp.maximum(ol, lk) + 1.0, 0.0) * (1.0 / 65.0)
    jv = lax.broadcasted_iota(jnp.int32, (1, _NF), 1).astype(jnp.float32)
    out_i_ref[...] = jnp.sum(wgm * jv, axis=1)
    cp1.wait()
    cp2.wait()
    dn = (((1,), (1,)), ((), ()))
    for d in range(3):
        a = lips_s[d]
        b = rest_s[d]
        oa = lax.dot_general(a, wgm, dn, preferred_element_type=jnp.float32)
        ob = lax.dot_general(b, wgm, dn, preferred_element_type=jnp.float32)
        out_ref[d, 0:40, :] = oa + a[:, 0:1] * tt
        out_ref[d, 40:115, :] = (ob + b[:, 0:1] * tt)[4:79, :]


_tc_pool = pl.pallas_call(
    _tc_pool_body,
    in_specs=[
        pl.BlockSpec(memory_space=pltpu.MemorySpace.HBM),
        pl.BlockSpec(memory_space=pltpu.MemorySpace.VMEM),
    ],
    out_shape=[
        jax.ShapeDtypeStruct((3, 115, _OUT), jnp.float32),
        jax.ShapeDtypeStruct((_OUT,), jnp.float32),
    ],
    scratch_shapes=[
        pltpu.VMEM((3, 40, _NF), jnp.float32),
        pltpu.VMEM((3, 79, _NF), jnp.float32),
        pltpu.SemaphoreType.DMA,
        pltpu.SemaphoreType.DMA,
    ],
)


def kernel(data0):
    v3 = jnp.transpose(data0, (2, 1, 0))
    hands = jnp.concatenate(
        [v3[:, 468:489, :], v3[:, 522:543, :]], axis=1
    ).reshape(126, _NF)
    mask = _sc_mask()(hands)
    out3, out_i = _tc_pool(v3, mask.reshape(1, _NF))
    return (jnp.transpose(out3, (2, 1, 0)), out_i)

# --- scband reference (transcript-rebuilt; emitter-appended) ---
"""Pipeline reference for scband-preprocess-layer-62603443306542 (READ-ONLY COPY).

The authoritative reference and input builder live on the scoring server;
editing this copy changes nothing except your own understanding.
"""

import jax, jax.numpy as jnp
import numpy as np

INPUT_SIZE = 64
N_DIMS = 3
LIPS_IDXS0 = np.arange(0, 40)
LEFT_HAND_IDXS0 = np.arange(468, 489)
POSE_IDXS0 = np.arange(489, 522)
RIGHT_HAND_IDXS0 = np.arange(522, 543)
HAND_IDXS0 = np.concatenate([LEFT_HAND_IDXS0, RIGHT_HAND_IDXS0])
LANDMARK_IDXS0 = np.concatenate([LIPS_IDXS0, LEFT_HAND_IDXS0, POSE_IDXS0, RIGHT_HAND_IDXS0])
N_COLS = LANDMARK_IDXS0.shape[0]


def pad_edge(t, repeats, side):
    if side == 'LEFT':
        return jnp.concatenate((jnp.repeat(t[:1], repeats=repeats, axis=0), t), axis=0)
    elif side == 'RIGHT':
        return jnp.concatenate((t, jnp.repeat(t[-1:], repeats=repeats, axis=0)), axis=0)


def setup_inputs(seed: int = 0):
    key = jax.random.key(seed)
    data0 = jax.random.uniform(key, (2048, 543, 3), dtype=jnp.float32)
    return {"data0": data0}


def reference(data0):
    N_FRAMES0 = data0.shape[0]
    hands = jnp.take(data0, jnp.asarray(HAND_IDXS0), axis=1)
    frames_hands_nansum = jnp.nanmean(hands, axis=(1, 2))
    non_empty_frames_idxs_arr = jnp.nonzero(frames_hands_nansum > 0, size=N_FRAMES0, fill_value=0)[0]
    data = jnp.take(data0, non_empty_frames_idxs_arr, axis=0)
    non_empty_frames_idxs = non_empty_frames_idxs_arr.astype(jnp.float32)
    N_FRAMES = data.shape[0]
    data = jnp.take(data, jnp.asarray(LANDMARK_IDXS0), axis=1)
    if N_FRAMES < INPUT_SIZE:
        non_empty_frames_idxs = jnp.pad(non_empty_frames_idxs, ((0, INPUT_SIZE - N_FRAMES),), constant_values=-1.0)
        data = jnp.pad(data, ((0, INPUT_SIZE - N_FRAMES), (0, 0), (0, 0)), constant_values=0.0)
        data = jnp.where(jnp.isnan(data), 0.0, data)
        return (data, non_empty_frames_idxs)
    else:
        if N_FRAMES < INPUT_SIZE ** 2:
            repeats = (INPUT_SIZE * INPUT_SIZE) // N_FRAMES0
            data = jnp.repeat(data, repeats=repeats, axis=0)
            non_empty_frames_idxs = jnp.repeat(non_empty_frames_idxs, repeats=repeats, axis=0)
        pool_size = data.shape[0] // INPUT_SIZE
        if data.shape[0] % INPUT_SIZE > 0:
            pool_size += 1
        if pool_size == 1:
            pad_size = pool_size * INPUT_SIZE - data.shape[0]
        else:
            pad_size = (pool_size * INPUT_SIZE) % data.shape[0]
        pad_left = pad_size // 2 + INPUT_SIZE // 2
        pad_right = pad_size // 2 + INPUT_SIZE // 2
        if pad_size % 2 > 0:
            pad_right += 1
        data = pad_edge(data, pad_left, 'LEFT')
        data = pad_edge(data, pad_right, 'RIGHT')
        non_empty_frames_idxs = pad_edge(non_empty_frames_idxs, pad_left, 'LEFT')
        non_empty_frames_idxs = pad_edge(non_empty_frames_idxs, pad_right, 'RIGHT')
        data = data.reshape(INPUT_SIZE, -1, N_COLS, N_DIMS)
        non_empty_frames_idxs = non_empty_frames_idxs.reshape(INPUT_SIZE, -1)
        data = jnp.nanmean(data, axis=1)
        non_empty_frames_idxs = jnp.nanmean(non_empty_frames_idxs, axis=1)
        data = jnp.where(jnp.isnan(data), 0.0, data)
        return (data, non_empty_frames_idxs)

if __name__ == "__main__":
    import jax
    _d = setup_inputs()
    print(jax.jit(kernel)(*tuple(_d.values())))

</pallas_src>

<mosaic_0001>
#map = affine_map<(d0, d1) -> (0, 0)>
#map1 = affine_map<(d0, d1) -> (0)>
module attributes {stable_mosaic.version = 14 : i64} {
  func.func @_sc_mask_body(%arg0: i32, %arg1: i32, %arg2: memref<126x2048xf32, #tpu.memory_space<hbm>>, %arg3: memref<2048xi32, #tpu.memory_space<hbm>>, %arg4: memref<126x128xf32, #tpu.memory_space<vmem>>, %arg5: memref<64xi32, #tpu.memory_space<vmem>>) attributes {dimension_semantics = [#tpu.dimension_semantics<core_parallel>, #tpu.dimension_semantics<subcore_parallel>], iteration_bounds = array<i64: 2, 16>, scalar_prefetch = 0 : i64, scratch_operands = 2 : i64, tpu.core_type = #tpu.core_type<sc_vector_subcore>, window_params = [{transform_indices = #map}, {transform_indices = #map1}]} {
    %mul3A = arith.constant 2 : i32
    %mul3A_0 = arith.muli %arg1, %mul3A : i32
    %add3A = arith.addi %mul3A_0, %arg0 : i32
    %jit3A = arith.constant 2 : i32
    %div3A = arith.divsi %add3A, %jit3A : i32
    %sign3A = arith.constant 0 : i32
    %sign3A_1 = arith.cmpi sgt, %add3A, %sign3A : i32
    %sign3A_2 = arith.extui %sign3A_1 : i1 to i32
    %sign3A_3 = arith.constant 0 : i32
    %sign3A_4 = arith.cmpi slt, %add3A, %sign3A_3 : i32
    %sign3A_5 = arith.extui %sign3A_4 : i1 to i32
    %sign3A_6 = arith.subi %sign3A_2, %sign3A_5 : i32
    %sign3A_7 = arith.constant 0 : i32
    %sign3A_8 = arith.cmpi sgt, %jit3A, %sign3A_7 : i32
    %sign3A_9 = arith.extui %sign3A_8 : i1 to i32
    %sign3A_10 = arith.constant 0 : i32
    %sign3A_11 = arith.cmpi slt, %jit3A, %sign3A_10 : i32
    %sign3A_12 = arith.extui %sign3A_11 : i1 to i32
    %sign3A_13 = arith.subi %sign3A_9, %sign3A_12 : i32
    %ne3A = arith.cmpi ne, %sign3A_6, %sign3A_13 : i32
    %rem3A = arith.remsi %add3A, %jit3A : i32
    %ne3A_14 = arith.constant 0 : i32
    %ne3A_15 = arith.cmpi ne, %rem3A, %ne3A_14 : i32
    %and3A = arith.andi %ne3A, %ne3A_15 : i1
    %sub3A = arith.constant 1 : i32
    %sub3A_16 = arith.subi %div3A, %sub3A : i32
    %select_n3A = arith.select %and3A, %sub3A_16, %div3A : i32
    %jit3A_17 = arith.constant 2 : i32
    %eq3A = arith.constant 0 : i32
    %eq3A_18 = arith.cmpi eq, %jit3A_17, %eq3A : i32
    %jit3A_19 = arith.constant 1 : i32
    %select_n3A_20 = arith.select %eq3A_18, %jit3A_19, %jit3A_17 : i32
    %rem3A_21 = arith.remsi %add3A, %select_n3A_20 : i32
    %ne3A_22 = arith.constant 0 : i32
    %ne3A_23 = arith.cmpi ne, %rem3A_21, %ne3A_22 : i32
    %lt3A = arith.constant 0 : i32
    %lt3A_24 = arith.cmpi slt, %rem3A_21, %lt3A : i32
    %lt3A_25 = arith.constant 0 : i32
    %lt3A_26 = arith.cmpi slt, %select_n3A_20, %lt3A_25 : i32
    %ne3A_27 = arith.xori %lt3A_24, %lt3A_26 : i1
    %and3A_28 = arith.andi %ne3A_27, %ne3A_23 : i1
    %add3A_29 = arith.addi %rem3A_21, %select_n3A_20 : i32
    %select_n3A_30 = arith.select %and3A_28, %add3A_29, %rem3A_21 : i32
    %mul3A_31 = arith.constant 128 : i32
    %mul3A_32 = arith.muli %select_n3A, %mul3A_31 : i32
    "tpu.region"() ({
      %run_scoped3A = tpu.sem_alloc : memref<!tpu.dma_semaphore, #tpu.memory_space<semaphore_mem>>
      %dma_start3A = arith.constant 0 : i32
      %dma_start3A_102 = tpu.memref_slice %arg2[%dma_start3A, %mul3A_32] : memref<126x2048xf32, #tpu.memory_space<hbm>> -> memref<126x128xf32, #tpu.memory_space<hbm>>
      %dma_start3A_103 = arith.constant 0 : i32
      %dma_start3A_104 = tpu.memref_slice %arg2[%dma_start3A_103, %mul3A_32] : memref<126x2048xf32, #tpu.memory_space<hbm>> -> memref<126x128xf32, #tpu.memory_space<hbm>>
      tpu.enqueue_dma source(%dma_start3A_104 : memref<126x128xf32, #tpu.memory_space<hbm>>) target(%arg4 : memref<126x128xf32, #tpu.memory_space<vmem>>) target_semaphore(%run_scoped3A : memref<!tpu.dma_semaphore, #tpu.memory_space<semaphore_mem>>)
      %dma_wait3A = arith.constant 0 : i32
      %dma_wait3A_105 = tpu.memref_slice %arg2[%dma_wait3A, %mul3A_32] : memref<126x2048xf32, #tpu.memory_space<hbm>> -> memref<126x128xf32, #tpu.memory_space<hbm>>
      %dma_wait3A_106 = arith.constant 0 : i32
      %dma_wait3A_107 = tpu.memref_slice %arg2[%dma_wait3A_106, %mul3A_32] : memref<126x2048xf32, #tpu.memory_space<hbm>> -> memref<126x128xf32, #tpu.memory_space<hbm>>
      tpu.wait_dma2 semaphore(%run_scoped3A : memref<!tpu.dma_semaphore, #tpu.memory_space<semaphore_mem>>) src(%dma_wait3A_107 : memref<126x128xf32, #tpu.memory_space<hbm>>) dst(%arg4 : memref<126x128xf32, #tpu.memory_space<vmem>>)
      tpu.yield
    }) : () -> ()
    %iota3A = tpu.iota {dimensions = array<i32: 0>} : vector<16xi32>
    %mul3A_33 = arith.constant 64 : i32
    %mul3A_34 = arith.muli %select_n3A_30, %mul3A_33 : i32
    %add3A_35 = arith.constant 0 : i32
    %add3A_36 = arith.addi %mul3A_34, %add3A_35 : i32
    %broadcast_in_dim3A = arith.constant 0.000000e+00 : f32
    %broadcast_in_dim3A_37 = vector.broadcast %broadcast_in_dim3A : f32 to vector<16xf32>
    %scan3A = arith.constant 0 : i32
    %scan3A_38 = arith.constant 18 : i32
    %scan3A_39 = arith.addi %scan3A, %scan3A_38 : i32
    %scan3A_40 = arith.constant 1 : i32
    %scan3A_41 = scf.for %scan3A_102 = %scan3A to %scan3A_39 step %scan3A_40 iter_args(%scan3A_103 = %broadcast_in_dim3A_37) -> (vector<16xf32>)  : i32 {
      %mul3A_104 = arith.constant 7 : i32
      %mul3A_105 = arith.muli %scan3A_102, %mul3A_104 : i32
      %add3A_106 = arith.constant 0 : i32
      %add3A_107 = arith.addi %mul3A_105, %add3A_106 : i32
      %broadcast_in_dim3A_108 = vector.broadcast %add3A_107 : i32 to vector<16xi32>
      %add3A_109 = vector.broadcast %add3A_36 : i32 to vector<16xi32>
      %add3A_110 = arith.addi %iota3A, %add3A_109 : vector<16xi32>
      %gather3A = tpu.vector_load_idx %arg4[%broadcast_in_dim3A_108, %add3A_110] : memref<126x128xf32, #tpu.memory_space<vmem>>[vector<16xi32>, vector<16xi32>], vector<16xf32>,
      %max3A = arith.maximumf %scan3A_103, %gather3A : vector<16xf32>
      %mul3A_111 = arith.constant 7 : i32
      %mul3A_112 = arith.muli %scan3A_102, %mul3A_111 : i32
      %add3A_113 = arith.constant 1 : i32
      %add3A_114 = arith.addi %mul3A_112, %add3A_113 : i32
      %broadcast_in_dim3A_115 = vector.broadcast %add3A_114 : i32 to vector<16xi32>
      %add3A_116 = vector.broadcast %add3A_36 : i32 to vector<16xi32>
      %add3A_117 = arith.addi %iota3A, %add3A_116 : vector<16xi32>
      %gather3A_118 = tpu.vector_load_idx %arg4[%broadcast_in_dim3A_115, %add3A_117] : memref<126x128xf32, #tpu.memory_space<vmem>>[vector<16xi32>, vector<16xi32>], vector<16xf32>,
      %max3A_119 = arith.maximumf %max3A, %gather3A_118 : vector<16xf32>
      %mul3A_120 = arith.constant 7 : i32
      %mul3A_121 = arith.muli %scan3A_102, %mul3A_120 : i32
      %add3A_122 = arith.constant 2 : i32
      %add3A_123 = arith.addi %mul3A_121, %add3A_122 : i32
      %broadcast_in_dim3A_124 = vector.broadcast %add3A_123 : i32 to vector<16xi32>
      %add3A_125 = vector.broadcast %add3A_36 : i32 to vector<16xi32>
      %add3A_126 = arith.addi %iota3A, %add3A_125 : vector<16xi32>
      %gather3A_127 = tpu.vector_load_idx %arg4[%broadcast_in_dim3A_124, %add3A_126] : memref<126x128xf32, #tpu.memory_space<vmem>>[vector<16xi32>, vector<16xi32>], vector<16xf32>,
      %max3A_128 = arith.maximumf %max3A_119, %gather3A_127 : vector<16xf32>
      %mul3A_129 = arith.constant 7 : i32
      %mul3A_130 = arith.muli %scan3A_102, %mul3A_129 : i32
      %add3A_131 = arith.constant 3 : i32
      %add3A_132 = arith.addi %mul3A_130, %add3A_131 : i32
      %broadcast_in_dim3A_133 = vector.broadcast %add3A_132 : i32 to vector<16xi32>
      %add3A_134 = vector.broadcast %add3A_36 : i32 to vector<16xi32>
      %add3A_135 = arith.addi %iota3A, %add3A_134 : vector<16xi32>
      %gather3A_136 = tpu.vector_load_idx %arg4[%broadcast_in_dim3A_133, %add3A_135] : memref<126x128xf32, #tpu.memory_space<vmem>>[vector<16xi32>, vector<16xi32>], vector<16xf32>,
      %max3A_137 = arith.maximumf %max3A_128, %gather3A_136 : vector<16xf32>
      %mul3A_138 = arith.constant 7 : i32
      %mul3A_139 = arith.muli %scan3A_102, %mul3A_138 : i32
      %add3A_140 = arith.constant 4 : i32
      %add3A_141 = arith.addi %mul3A_139, %add3A_140 : i32
      %broadcast_in_dim3A_142 = vector.broadcast %add3A_141 : i32 to vector<16xi32>
      %add3A_143 = vector.broadcast %add3A_36 : i32 to vector<16xi32>
      %add3A_144 = arith.addi %iota3A, %add3A_143 : vector<16xi32>
      %gather3A_145 = tpu.vector_load_idx %arg4[%broadcast_in_dim3A_142, %add3A_144] : memref<126x128xf32, #tpu.memory_space<vmem>>[vector<16xi32>, vector<16xi32>], vector<16xf32>,
      %max3A_146 = arith.maximumf %max3A_137, %gather3A_145 : vector<16xf32>
      %mul3A_147 = arith.constant 7 : i32
      %mul3A_148 = arith.muli %scan3A_102, %mul3A_147 : i32
      %add3A_149 = arith.constant 5 : i32
      %add3A_150 = arith.addi %mul3A_148, %add3A_149 : i32
      %broadcast_in_dim3A_151 = vector.broadcast %add3A_150 : i32 to vector<16xi32>
      %add3A_152 = vector.broadcast %add3A_36 : i32 to vector<16xi32>
      %add3A_153 = arith.addi %iota3A, %add3A_152 : vector<16xi32>
      %gather3A_154 = tpu.vector_load_idx %arg4[%broadcast_in_dim3A_151, %add3A_153] : memref<126x128xf32, #tpu.memory_space<vmem>>[vector<16xi32>, vector<16xi32>], vector<16xf32>,
      %max3A_155 = arith.maximumf %max3A_146, %gather3A_154 : vector<16xf32>
      %mul3A_156 = arith.constant 7 : i32
      %mul3A_157 = arith.muli %scan3A_102, %mul3A_156 : i32
      %add3A_158 = arith.constant 6 : i32
      %add3A_159 = arith.addi %mul3A_157, %add3A_158 : i32
      %broadcast_in_dim3A_160 = vector.broadcast %add3A_159 : i32 to vector<16xi32>
      %add3A_161 = vector.broadcast %add3A_36 : i32 to vector<16xi32>
      %add3A_162 = arith.addi %iota3A, %add3A_161 : vector<16xi32>
      %gather3A_163 = tpu.vector_load_idx %arg4[%broadcast_in_dim3A_160, %add3A_162] : memref<126x128xf32, #tpu.memory_space<vmem>>[vector<16xi32>, vector<16xi32>], vector<16xf32>,
      %max3A_164 = arith.maximumf %max3A_155, %gather3A_163 : vector<16xf32>
      scf.yield %max3A_164 : vector<16xf32>
    }
    %scan3A_42 = arith.constant 18 : i32
    %gt3A = arith.constant 0.000000e+00 : f32
    %gt3A_43 = vector.broadcast %gt3A : f32 to vector<16xf32>
    %gt3A_44 = arith.cmpf ogt, %scan3A_41, %gt3A_43 : vector<16xf32>
    %convert_element_type3A = arith.extui %gt3A_44 : vector<16xi1> to vector<16xi32>
    %swap3A = arith.constant 0 : index
    %swap3A_45 = tpu.vector_load %arg5[%swap3A] {strides = array<i32>} : memref<64xi32, #tpu.memory_space<vmem>>, vector<16xi32>,
    tpu.vector_store %arg5[%swap3A], %convert_element_type3A {strides = array<i32>} : memref<64xi32, #tpu.memory_space<vmem>>, vector<16xi32>,
    %mul3A_46 = arith.constant 64 : i32
    %mul3A_47 = arith.muli %select_n3A_30, %mul3A_46 : i32
    %add3A_48 = arith.constant 16 : i32
    %add3A_49 = arith.addi %mul3A_47, %add3A_48 : i32
    %broadcast_in_dim3A_50 = arith.constant 0.000000e+00 : f32
    %broadcast_in_dim3A_51 = vector.broadcast %broadcast_in_dim3A_50 : f32 to vector<16xf32>
    %scan3A_52 = arith.constant 0 : i32
    %scan3A_53 = arith.constant 18 : i32
    %scan3A_54 = arith.addi %scan3A_52, %scan3A_53 : i32
    %scan3A_55 = arith.constant 1 : i32
    %scan3A_56 = scf.for %scan3A_102 = %scan3A_52 to %scan3A_54 step %scan3A_55 iter_args(%scan3A_103 = %broadcast_in_dim3A_51) -> (vector<16xf32>)  : i32 {
      %mul3A_104 = arith.constant 7 : i32
      %mul3A_105 = arith.muli %scan3A_102, %mul3A_104 : i32
      %add3A_106 = arith.constant 0 : i32
      %add3A_107 = arith.addi %mul3A_105, %add3A_106 : i32
      %broadcast_in_dim3A_108 = vector.broadcast %add3A_107 : i32 to vector<16xi32>
      %add3A_109 = vector.broadcast %add3A_49 : i32 to vector<16xi32>
      %add3A_110 = arith.addi %iota3A, %add3A_109 : vector<16xi32>
      %gather3A = tpu.vector_load_idx %arg4[%broadcast_in_dim3A_108, %add3A_110] : memref<126x128xf32, #tpu.memory_space<vmem>>[vector<16xi32>, vector<16xi32>], vector<16xf32>,
      %max3A = arith.maximumf %scan3A_103, %gather3A : vector<16xf32>
      %mul3A_111 = arith.constant 7 : i32
      %mul3A_112 = arith.muli %scan3A_102, %mul3A_111 : i32
      %add3A_113 = arith.constant 1 : i32
      %add3A_114 = arith.addi %mul3A_112, %add3A_113 : i32
      %broadcast_in_dim3A_115 = vector.broadcast %add3A_114 : i32 to vector<16xi32>
      %add3A_116 = vector.broadcast %add3A_49 : i32 to vector<16xi32>
      %add3A_117 = arith.addi %iota3A, %add3A_116 : vector<16xi32>
      %gather3A_118 = tpu.vector_load_idx %arg4[%broadcast_in_dim3A_115, %add3A_117] : memref<126x128xf32, #tpu.memory_space<vmem>>[vector<16xi32>, vector<16xi32>], vector<16xf32>,
      %max3A_119 = arith.maximumf %max3A, %gather3A_118 : vector<16xf32>
      %mul3A_120 = arith.constant 7 : i32
      %mul3A_121 = arith.muli %scan3A_102, %mul3A_120 : i32
      %add3A_122 = arith.constant 2 : i32
      %add3A_123 = arith.addi %mul3A_121, %add3A_122 : i32
      %broadcast_in_dim3A_124 = vector.broadcast %add3A_123 : i32 to vector<16xi32>
      %add3A_125 = vector.broadcast %add3A_49 : i32 to vector<16xi32>
      %add3A_126 = arith.addi %iota3A, %add3A_125 : vector<16xi32>
      %gather3A_127 = tpu.vector_load_idx %arg4[%broadcast_in_dim3A_124, %add3A_126] : memref<126x128xf32, #tpu.memory_space<vmem>>[vector<16xi32>, vector<16xi32>], vector<16xf32>,
      %max3A_128 = arith.maximumf %max3A_119, %gather3A_127 : vector<16xf32>
      %mul3A_129 = arith.constant 7 : i32
      %mul3A_130 = arith.muli %scan3A_102, %mul3A_129 : i32
      %add3A_131 = arith.constant 3 : i32
      %add3A_132 = arith.addi %mul3A_130, %add3A_131 : i32
      %broadcast_in_dim3A_133 = vector.broadcast %add3A_132 : i32 to vector<16xi32>
      %add3A_134 = vector.broadcast %add3A_49 : i32 to vector<16xi32>
      %add3A_135 = arith.addi %iota3A, %add3A_134 : vector<16xi32>
      %gather3A_136 = tpu.vector_load_idx %arg4[%broadcast_in_dim3A_133, %add3A_135] : memref<126x128xf32, #tpu.memory_space<vmem>>[vector<16xi32>, vector<16xi32>], vector<16xf32>,
      %max3A_137 = arith.maximumf %max3A_128, %gather3A_136 : vector<16xf32>
      %mul3A_138 = arith.constant 7 : i32
      %mul3A_139 = arith.muli %scan3A_102, %mul3A_138 : i32
      %add3A_140 = arith.constant 4 : i32
      %add3A_141 = arith.addi %mul3A_139, %add3A_140 : i32
      %broadcast_in_dim3A_142 = vector.broadcast %add3A_141 : i32 to vector<16xi32>
      %add3A_143 = vector.broadcast %add3A_49 : i32 to vector<16xi32>
      %add3A_144 = arith.addi %iota3A, %add3A_143 : vector<16xi32>
      %gather3A_145 = tpu.vector_load_idx %arg4[%broadcast_in_dim3A_142, %add3A_144] : memref<126x128xf32, #tpu.memory_space<vmem>>[vector<16xi32>, vector<16xi32>], vector<16xf32>,
      %max3A_146 = arith.maximumf %max3A_137, %gather3A_145 : vector<16xf32>
      %mul3A_147 = arith.constant 7 : i32
      %mul3A_148 = arith.muli %scan3A_102, %mul3A_147 : i32
      %add3A_149 = arith.constant 5 : i32
      %add3A_150 = arith.addi %mul3A_148, %add3A_149 : i32
      %broadcast_in_dim3A_151 = vector.broadcast %add3A_150 : i32 to vector<16xi32>
      %add3A_152 = vector.broadcast %add3A_49 : i32 to vector<16xi32>
      %add3A_153 = arith.addi %iota3A, %add3A_152 : vector<16xi32>
      %gather3A_154 = tpu.vector_load_idx %arg4[%broadcast_in_dim3A_151, %add3A_153] : memref<126x128xf32, #tpu.memory_space<vmem>>[vector<16xi32>, vector<16xi32>], vector<16xf32>,
      %max3A_155 = arith.maximumf %max3A_146, %gather3A_154 : vector<16xf32>
      %mul3A_156 = arith.constant 7 : i32
      %mul3A_157 = arith.muli %scan3A_102, %mul3A_156 : i32
      %add3A_158 = arith.constant 6 : i32
      %add3A_159 = arith.addi %mul3A_157, %add3A_158 : i32
      %broadcast_in_dim3A_160 = vector.broadcast %add3A_159 : i32 to vector<16xi32>
      %add3A_161 = vector.broadcast %add3A_49 : i32 to vector<16xi32>
      %add3A_162 = arith.addi %iota3A, %add3A_161 : vector<16xi32>
      %gather3A_163 = tpu.vector_load_idx %arg4[%broadcast_in_dim3A_160, %add3A_162] : memref<126x128xf32, #tpu.memory_space<vmem>>[vector<16xi32>, vector<16xi32>], vector<16xf32>,
      %max3A_164 = arith.maximumf %max3A_155, %gather3A_163 : vector<16xf32>
      scf.yield %max3A_164 : vector<16xf32>
    }
    %scan3A_57 = arith.constant 18 : i32
    %gt3A_58 = arith.constant 0.000000e+00 : f32
    %gt3A_59 = vector.broadcast %gt3A_58 : f32 to vector<16xf32>
    %gt3A_60 = arith.cmpf ogt, %scan3A_56, %gt3A_59 : vector<16xf32>
    %convert_element_type3A_61 = arith.extui %gt3A_60 : vector<16xi1> to vector<16xi32>
    %swap3A_62 = arith.constant 16 : index
    %swap3A_63 = tpu.vector_load %arg5[%swap3A_62] {strides = array<i32>} : memref<64xi32, #tpu.memory_space<vmem>>, vector<16xi32>,
    tpu.vector_store %arg5[%swap3A_62], %convert_element_type3A_61 {strides = array<i32>} : memref<64xi32, #tpu.memory_space<vmem>>, vector<16xi32>,
    %mul3A_64 = arith.constant 64 : i32
    %mul3A_65 = arith.muli %select_n3A_30, %mul3A_64 : i32
    %add3A_66 = arith.constant 32 : i32
    %add3A_67 = arith.addi %mul3A_65, %add3A_66 : i32
    %broadcast_in_dim3A_68 = arith.constant 0.000000e+00 : f32
    %broadcast_in_dim3A_69 = vector.broadcast %broadcast_in_dim3A_68 : f32 to vector<16xf32>
    %scan3A_70 = arith.constant 0 : i32
    %scan3A_71 = arith.constant 18 : i32
    %scan3A_72 = arith.addi %scan3A_70, %scan3A_71 : i32
    %scan3A_73 = arith.constant 1 : i32
    %scan3A_74 = scf.for %scan3A_102 = %scan3A_70 to %scan3A_72 step %scan3A_73 iter_args(%scan3A_103 = %broadcast_in_dim3A_69) -> (vector<16xf32>)  : i32 {
      %mul3A_104 = arith.constant 7 : i32
      %mul3A_105 = arith.muli %scan3A_102, %mul3A_104 : i32
      %add3A_106 = arith.constant 0 : i32
      %add3A_107 = arith.addi %mul3A_105, %add3A_106 : i32
      %broadcast_in_dim3A_108 = vector.broadcast %add3A_107 : i32 to vector<16xi32>
      %add3A_109 = vector.broadcast %add3A_67 : i32 to vector<16xi32>
      %add3A_110 = arith.addi %iota3A, %add3A_109 : vector<16xi32>
      %gather3A = tpu.vector_load_idx %arg4[%broadcast_in_dim3A_108, %add3A_110] : memref<126x128xf32, #tpu.memory_space<vmem>>[vector<16xi32>, vector<16xi32>], vector<16xf32>,
      %max3A = arith.maximumf %scan3A_103, %gather3A : vector<16xf32>
      %mul3A_111 = arith.constant 7 : i32
      %mul3A_112 = arith.muli %scan3A_102, %mul3A_111 : i32
      %add3A_113 = arith.constant 1 : i32
      %add3A_114 = arith.addi %mul3A_112, %add3A_113 : i32
      %broadcast_in_dim3A_115 = vector.broadcast %add3A_114 : i32 to vector<16xi32>
      %add3A_116 = vector.broadcast %add3A_67 : i32 to vector<16xi32>
      %add3A_117 = arith.addi %iota3A, %add3A_116 : vector<16xi32>
      %gather3A_118 = tpu.vector_load_idx %arg4[%broadcast_in_dim3A_115, %add3A_117] : memref<126x128xf32, #tpu.memory_space<vmem>>[vector<16xi32>, vector<16xi32>], vector<16xf32>,
      %max3A_119 = arith.maximumf %max3A, %gather3A_118 : vector<16xf32>
      %mul3A_120 = arith.constant 7 : i32
      %mul3A_121 = arith.muli %scan3A_102, %mul3A_120 : i32
      %add3A_122 = arith.constant 2 : i32
      %add3A_123 = arith.addi %mul3A_121, %add3A_122 : i32
      %broadcast_in_dim3A_124 = vector.broadcast %add3A_123 : i32 to vector<16xi32>
      %add3A_125 = vector.broadcast %add3A_67 : i32 to vector<16xi32>
      %add3A_126 = arith.addi %iota3A, %add3A_125 : vector<16xi32>
      %gather3A_127 = tpu.vector_load_idx %arg4[%broadcast_in_dim3A_124, %add3A_126] : memref<126x128xf32, #tpu.memory_space<vmem>>[vector<16xi32>, vector<16xi32>], vector<16xf32>,
      %max3A_128 = arith.maximumf %max3A_119, %gather3A_127 : vector<16xf32>
      %mul3A_129 = arith.constant 7 : i32
      %mul3A_130 = arith.muli %scan3A_102, %mul3A_129 : i32
      %add3A_131 = arith.constant 3 : i32
      %add3A_132 = arith.addi %mul3A_130, %add3A_131 : i32
      %broadcast_in_dim3A_133 = vector.broadcast %add3A_132 : i32 to vector<16xi32>
      %add3A_134 = vector.broadcast %add3A_67 : i32 to vector<16xi32>
      %add3A_135 = arith.addi %iota3A, %add3A_134 : vector<16xi32>
      %gather3A_136 = tpu.vector_load_idx %arg4[%broadcast_in_dim3A_133, %add3A_135] : memref<126x128xf32, #tpu.memory_space<vmem>>[vector<16xi32>, vector<16xi32>], vector<16xf32>,
      %max3A_137 = arith.maximumf %max3A_128, %gather3A_136 : vector<16xf32>
      %mul3A_138 = arith.constant 7 : i32
      %mul3A_139 = arith.muli %scan3A_102, %mul3A_138 : i32
      %add3A_140 = arith.constant 4 : i32
      %add3A_141 = arith.addi %mul3A_139, %add3A_140 : i32
      %broadcast_in_dim3A_142 = vector.broadcast %add3A_141 : i32 to vector<16xi32>
      %add3A_143 = vector.broadcast %add3A_67 : i32 to vector<16xi32>
      %add3A_144 = arith.addi %iota3A, %add3A_143 : vector<16xi32>
      %gather3A_145 = tpu.vector_load_idx %arg4[%broadcast_in_dim3A_142, %add3A_144] : memref<126x128xf32, #tpu.memory_space<vmem>>[vector<16xi32>, vector<16xi32>], vector<16xf32>,
      %max3A_146 = arith.maximumf %max3A_137, %gather3A_145 : vector<16xf32>
      %mul3A_147 = arith.constant 7 : i32
      %mul3A_148 = arith.muli %scan3A_102, %mul3A_147 : i32
      %add3A_149 = arith.constant 5 : i32
      %add3A_150 = arith.addi %mul3A_148, %add3A_149 : i32
      %broadcast_in_dim3A_151 = vector.broadcast %add3A_150 : i32 to vector<16xi32>
      %add3A_152 = vector.broadcast %add3A_67 : i32 to vector<16xi32>
      %add3A_153 = arith.addi %iota3A, %add3A_152 : vector<16xi32>
      %gather3A_154 = tpu.vector_load_idx %arg4[%broadcast_in_dim3A_151, %add3A_153] : memref<126x128xf32, #tpu.memory_space<vmem>>[vector<16xi32>, vector<16xi32>], vector<16xf32>,
      %max3A_155 = arith.maximumf %max3A_146, %gather3A_154 : vector<16xf32>
      %mul3A_156 = arith.constant 7 : i32
      %mul3A_157 = arith.muli %scan3A_102, %mul3A_156 : i32
      %add3A_158 = arith.constant 6 : i32
      %add3A_159 = arith.addi %mul3A_157, %add3A_158 : i32
      %broadcast_in_dim3A_160 = vector.broadcast %add3A_159 : i32 to vector<16xi32>
      %add3A_161 = vector.broadcast %add3A_67 : i32 to vector<16xi32>
      %add3A_162 = arith.addi %iota3A, %add3A_161 : vector<16xi32>
      %gather3A_163 = tpu.vector_load_idx %arg4[%broadcast_in_dim3A_160, %add3A_162] : memref<126x128xf32, #tpu.memory_space<vmem>>[vector<16xi32>, vector<16xi32>], vector<16xf32>,
      %max3A_164 = arith.maximumf %max3A_155, %gather3A_163 : vector<16xf32>
      scf.yield %max3A_164 : vector<16xf32>
    }
    %scan3A_75 = arith.constant 18 : i32
    %gt3A_76 = arith.constant 0.000000e+00 : f32
    %gt3A_77 = vector.broadcast %gt3A_76 : f32 to vector<16xf32>
    %gt3A_78 = arith.cmpf ogt, %scan3A_74, %gt3A_77 : vector<16xf32>
    %convert_element_type3A_79 = arith.extui %gt3A_78 : vector<16xi1> to vector<16xi32>
    %swap3A_80 = arith.constant 32 : index
    %swap3A_81 = tpu.vector_load %arg5[%swap3A_80] {strides = array<i32>} : memref<64xi32, #tpu.memory_space<vmem>>, vector<16xi32>,
    tpu.vector_store %arg5[%swap3A_80], %convert_element_type3A_79 {strides = array<i32>} : memref<64xi32, #tpu.memory_space<vmem>>, vector<16xi32>,
    %mul3A_82 = arith.constant 64 : i32
    %mul3A_83 = arith.muli %select_n3A_30, %mul3A_82 : i32
    %add3A_84 = arith.constant 48 : i32
    %add3A_85 = arith.addi %mul3A_83, %add3A_84 : i32
    %broadcast_in_dim3A_86 = arith.constant 0.000000e+00 : f32
    %broadcast_in_dim3A_87 = vector.broadcast %broadcast_in_dim3A_86 : f32 to vector<16xf32>
    %scan3A_88 = arith.constant 0 : i32
    %scan3A_89 = arith.constant 18 : i32
    %scan3A_90 = arith.addi %scan3A_88, %scan3A_89 : i32
    %scan3A_91 = arith.constant 1 : i32
    %scan3A_92 = scf.for %scan3A_102 = %scan3A_88 to %scan3A_90 step %scan3A_91 iter_args(%scan3A_103 = %broadcast_in_dim3A_87) -> (vector<16xf32>)  : i32 {
      %mul3A_104 = arith.constant 7 : i32
      %mul3A_105 = arith.muli %scan3A_102, %mul3A_104 : i32
      %add3A_106 = arith.constant 0 : i32
      %add3A_107 = arith.addi %mul3A_105, %add3A_106 : i32
      %broadcast_in_dim3A_108 = vector.broadcast %add3A_107 : i32 to vector<16xi32>
      %add3A_109 = vector.broadcast %add3A_85 : i32 to vector<16xi32>
      %add3A_110 = arith.addi %iota3A, %add3A_109 : vector<16xi32>
      %gather3A = tpu.vector_load_idx %arg4[%broadcast_in_dim3A_108, %add3A_110] : memref<126x128xf32, #tpu.memory_space<vmem>>[vector<16xi32>, vector<16xi32>], vector<16xf32>,
      %max3A = arith.maximumf %scan3A_103, %gather3A : vector<16xf32>
      %mul3A_111 = arith.constant 7 : i32
      %mul3A_112 = arith.muli %scan3A_102, %mul3A_111 : i32
      %add3A_113 = arith.constant 1 : i32
      %add3A_114 = arith.addi %mul3A_112, %add3A_113 : i32
      %broadcast_in_dim3A_115 = vector.broadcast %add3A_114 : i32 to vector<16xi32>
      %add3A_116 = vector.broadcast %add3A_85 : i32 to vector<16xi32>
      %add3A_117 = arith.addi %iota3A, %add3A_116 : vector<16xi32>
      %gather3A_118 = tpu.vector_load_idx %arg4[%broadcast_in_dim3A_115, %add3A_117] : memref<126x128xf32, #tpu.memory_space<vmem>>[vector<16xi32>, vector<16xi32>], vector<16xf32>,
      %max3A_119 = arith.maximumf %max3A, %gather3A_118 : vector<16xf32>
      %mul3A_120 = arith.constant 7 : i32
      %mul3A_121 = arith.muli %scan3A_102, %mul3A_120 : i32
      %add3A_122 = arith.constant 2 : i32
      %add3A_123 = arith.addi %mul3A_121, %add3A_122 : i32
      %broadcast_in_dim3A_124 = vector.broadcast %add3A_123 : i32 to vector<16xi32>
      %add3A_125 = vector.broadcast %add3A_85 : i32 to vector<16xi32>
      %add3A_126 = arith.addi %iota3A, %add3A_125 : vector<16xi32>
      %gather3A_127 = tpu.vector_load_idx %arg4[%broadcast_in_dim3A_124, %add3A_126] : memref<126x128xf32, #tpu.memory_space<vmem>>[vector<16xi32>, vector<16xi32>], vector<16xf32>,
      %max3A_128 = arith.maximumf %max3A_119, %gather3A_127 : vector<16xf32>
      %mul3A_129 = arith.constant 7 : i32
      %mul3A_130 = arith.muli %scan3A_102, %mul3A_129 : i32
      %add3A_131 = arith.constant 3 : i32
      %add3A_132 = arith.addi %mul3A_130, %add3A_131 : i32
      %broadcast_in_dim3A_133 = vector.broadcast %add3A_132 : i32 to vector<16xi32>
      %add3A_134 = vector.broadcast %add3A_85 : i32 to vector<16xi32>
      %add3A_135 = arith.addi %iota3A, %add3A_134 : vector<16xi32>
      %gather3A_136 = tpu.vector_load_idx %arg4[%broadcast_in_dim3A_133, %add3A_135] : memref<126x128xf32, #tpu.memory_space<vmem>>[vector<16xi32>, vector<16xi32>], vector<16xf32>,
      %max3A_137 = arith.maximumf %max3A_128, %gather3A_136 : vector<16xf32>
      %mul3A_138 = arith.constant 7 : i32
      %mul3A_139 = arith.muli %scan3A_102, %mul3A_138 : i32
      %add3A_140 = arith.constant 4 : i32
      %add3A_141 = arith.addi %mul3A_139, %add3A_140 : i32
      %broadcast_in_dim3A_142 = vector.broadcast %add3A_141 : i32 to vector<16xi32>
      %add3A_143 = vector.broadcast %add3A_85 : i32 to vector<16xi32>
      %add3A_144 = arith.addi %iota3A, %add3A_143 : vector<16xi32>
      %gather3A_145 = tpu.vector_load_idx %arg4[%broadcast_in_dim3A_142, %add3A_144] : memref<126x128xf32, #tpu.memory_space<vmem>>[vector<16xi32>, vector<16xi32>], vector<16xf32>,
      %max3A_146 = arith.maximumf %max3A_137, %gather3A_145 : vector<16xf32>
      %mul3A_147 = arith.constant 7 : i32
      %mul3A_148 = arith.muli %scan3A_102, %mul3A_147 : i32
      %add3A_149 = arith.constant 5 : i32
      %add3A_150 = arith.addi %mul3A_148, %add3A_149 : i32
      %broadcast_in_dim3A_151 = vector.broadcast %add3A_150 : i32 to vector<16xi32>
      %add3A_152 = vector.broadcast %add3A_85 : i32 to vector<16xi32>
      %add3A_153 = arith.addi %iota3A, %add3A_152 : vector<16xi32>
      %gather3A_154 = tpu.vector_load_idx %arg4[%broadcast_in_dim3A_151, %add3A_153] : memref<126x128xf32, #tpu.memory_space<vmem>>[vector<16xi32>, vector<16xi32>], vector<16xf32>,
      %max3A_155 = arith.maximumf %max3A_146, %gather3A_154 : vector<16xf32>
      %mul3A_156 = arith.constant 7 : i32
      %mul3A_157 = arith.muli %scan3A_102, %mul3A_156 : i32
      %add3A_158 = arith.constant 6 : i32
      %add3A_159 = arith.addi %mul3A_157, %add3A_158 : i32
      %broadcast_in_dim3A_160 = vector.broadcast %add3A_159 : i32 to vector<16xi32>
      %add3A_161 = vector.broadcast %add3A_85 : i32 to vector<16xi32>
      %add3A_162 = arith.addi %iota3A, %add3A_161 : vector<16xi32>
      %gather3A_163 = tpu.vector_load_idx %arg4[%broadcast_in_dim3A_160, %add3A_162] : memref<126x128xf32, #tpu.memory_space<vmem>>[vector<16xi32>, vector<16xi32>], vector<16xf32>,
      %max3A_164 = arith.maximumf %max3A_155, %gather3A_163 : vector<16xf32>
      scf.yield %max3A_164 : vector<16xf32>
    }
    %scan3A_93 = arith.constant 18 : i32
    %gt3A_94 = arith.constant 0.000000e+00 : f32
    %gt3A_95 = vector.broadcast %gt3A_94 : f32 to vector<16xf32>
    %gt3A_96 = arith.cmpf ogt, %scan3A_92, %gt3A_95 : vector<16xf32>
    %convert_element_type3A_97 = arith.extui %gt3A_96 : vector<16xi1> to vector<16xi32>
    %swap3A_98 = arith.constant 48 : index
    %swap3A_99 = tpu.vector_load %arg5[%swap3A_98] {strides = array<i32>} : memref<64xi32, #tpu.memory_space<vmem>>, vector<16xi32>,
    tpu.vector_store %arg5[%swap3A_98], %convert_element_type3A_97 {strides = array<i32>} : memref<64xi32, #tpu.memory_space<vmem>>, vector<16xi32>,
    %mul3A_100 = arith.constant 64 : i32
    %mul3A_101 = arith.muli %add3A, %mul3A_100 : i32
    "tpu.region"() ({
      %run_scoped3A = tpu.sem_alloc : memref<!tpu.dma_semaphore, #tpu.memory_space<semaphore_mem>>
      %dma_start3A = tpu.memref_slice %arg3[%mul3A_101] : memref<2048xi32, #tpu.memory_space<hbm>> -> memref<64xi32, #tpu.memory_space<hbm>>
      %dma_start3A_102 = tpu.memref_slice %arg3[%mul3A_101] : memref<2048xi32, #tpu.memory_space<hbm>> -> memref<64xi32, #tpu.memory_space<hbm>>
      tpu.enqueue_dma source(%arg5 : memref<64xi32, #tpu.memory_space<vmem>>) target(%dma_start3A_102 : memref<64xi32, #tpu.memory_space<hbm>>) target_semaphore(%run_scoped3A : memref<!tpu.dma_semaphore, #tpu.memory_space<semaphore_mem>>)
      %dma_wait3A = tpu.memref_slice %arg3[%mul3A_101] : memref<2048xi32, #tpu.memory_space<hbm>> -> memref<64xi32, #tpu.memory_space<hbm>>
      %dma_wait3A_103 = tpu.memref_slice %arg3[%mul3A_101] : memref<2048xi32, #tpu.memory_space<hbm>> -> memref<64xi32, #tpu.memory_space<hbm>>
      tpu.wait_dma2 semaphore(%run_scoped3A : memref<!tpu.dma_semaphore, #tpu.memory_space<semaphore_mem>>) src(%arg5 : memref<64xi32, #tpu.memory_space<vmem>>) dst(%dma_wait3A_103 : memref<64xi32, #tpu.memory_space<hbm>>)
      tpu.yield
    }) : () -> ()
    return
  }
}

module attributes {stable_mosaic.version = 14 : i64} {
  func.func @_tc_pool_body(%arg0: memref<3x543x2048xf32, #tpu.memory_space<hbm>>, %arg1: memref<1x2048xi32, #tpu.memory_space<vmem>>, %arg2: memref<3x115x64xf32, #tpu.memory_space<vmem>>, %arg3: memref<64xf32, #tpu.memory_space<vmem>>, %arg4: memref<3x40x2048xf32, #tpu.memory_space<vmem>>, %arg5: memref<3x79x2048xf32, #tpu.memory_space<vmem>>, %arg6: memref<!tpu.dma_semaphore, #tpu.memory_space<semaphore_mem>>, %arg7: memref<!tpu.dma_semaphore, #tpu.memory_space<semaphore_mem>>) attributes {dimension_semantics = [], scalar_prefetch = 0 : i64, scratch_operands = 4 : i64, tpu.core_type = #tpu.core_type<tc>} {
    %dma_start3A = arith.constant 0 : i32
    %dma_start3A_0 = arith.constant 0 : i32
    %dma_start3A_1 = arith.constant 0 : i32
    %dma_start3A_2 = tpu.memref_slice %arg0[%dma_start3A, %dma_start3A_0, %dma_start3A_1] : memref<3x543x2048xf32, #tpu.memory_space<hbm>> -> memref<3x40x2048xf32, #tpu.memory_space<hbm>>
    tpu.enqueue_dma source(%dma_start3A_2 : memref<3x40x2048xf32, #tpu.memory_space<hbm>>) target(%arg4 : memref<3x40x2048xf32, #tpu.memory_space<vmem>>) target_semaphore(%arg6 : memref<!tpu.dma_semaphore, #tpu.memory_space<semaphore_mem>>)
    %dma_start3A_3 = arith.constant 0 : i32
    %dma_start3A_4 = arith.constant 464 : i32
    %dma_start3A_5 = arith.constant 0 : i32
    %dma_start3A_6 = tpu.memref_slice %arg0[%dma_start3A_3, %dma_start3A_4, %dma_start3A_5] : memref<3x543x2048xf32, #tpu.memory_space<hbm>> -> memref<3x79x2048xf32, #tpu.memory_space<hbm>>
    tpu.enqueue_dma source(%dma_start3A_6 : memref<3x79x2048xf32, #tpu.memory_space<hbm>>) target(%arg5 : memref<3x79x2048xf32, #tpu.memory_space<vmem>>) target_semaphore(%arg7 : memref<!tpu.dma_semaphore, #tpu.memory_space<semaphore_mem>>)
    %get3A = arith.constant 0 : index
    %get3A_7 = arith.constant 0 : index
    %get3A_8 = vector.load %arg1[%get3A, %get3A_7] : memref<1x2048xi32, #tpu.memory_space<vmem>>, vector<1x2048xi32>
    %gt3A = arith.constant 0 : i32
    %gt3A_9 = vector.broadcast %gt3A : i32 to vector<1x2048xi32>
    %gt3A_10 = arith.cmpi sgt, %get3A_8, %gt3A_9 : vector<1x2048xi32>
    %convert_element_type3A = arith.extui %gt3A_10 : vector<1x2048xi1> to vector<1x2048xi32>
    %convert_element_type3A_11 = arith.sitofp %convert_element_type3A : vector<1x2048xi32> to vector<1x2048xf32>
    %broadcast_in_dim3A = arith.constant 0.000000e+00 : f32
    %broadcast_in_dim3A_12 = vector.broadcast %broadcast_in_dim3A : f32 to vector<1x1xf32>
    %slice3A = vector.extract_strided_slice %convert_element_type3A_11 {offsets = [0, 0], sizes = [1, 2047], strides = [1, 1]} : vector<1x2048xf32> to vector<1x2047xf32>
    %concatenate3A = tpu.concatenate %broadcast_in_dim3A_12, %slice3A in 1 : vector<1x1xf32>, vector<1x2047xf32> -> vector<1x2048xf32>
    %add3A = arith.addf %convert_element_type3A_11, %concatenate3A : vector<1x2048xf32>
    %broadcast_in_dim3A_13 = arith.constant 0.000000e+00 : f32
    %broadcast_in_dim3A_14 = vector.broadcast %broadcast_in_dim3A_13 : f32 to vector<1x2xf32>
    %slice3A_15 = vector.extract_strided_slice %add3A {offsets = [0, 0], sizes = [1, 2046], strides = [1, 1]} : vector<1x2048xf32> to vector<1x2046xf32>
    %concatenate3A_16 = tpu.concatenate %broadcast_in_dim3A_14, %slice3A_15 in 1 : vector<1x2xf32>, vector<1x2046xf32> -> vector<1x2048xf32>
    %add3A_17 = arith.addf %add3A, %concatenate3A_16 : vector<1x2048xf32>
    %broadcast_in_dim3A_18 = arith.constant 0.000000e+00 : f32
    %broadcast_in_dim3A_19 = vector.broadcast %broadcast_in_dim3A_18 : f32 to vector<1x4xf32>
    %slice3A_20 = vector.extract_strided_slice %add3A_17 {offsets = [0, 0], sizes = [1, 2044], strides = [1, 1]} : vector<1x2048xf32> to vector<1x2044xf32>
    %concatenate3A_21 = tpu.concatenate %broadcast_in_dim3A_19, %slice3A_20 in 1 : vector<1x4xf32>, vector<1x2044xf32> -> vector<1x2048xf32>
    %add3A_22 = arith.addf %add3A_17, %concatenate3A_21 : vector<1x2048xf32>
    %broadcast_in_dim3A_23 = arith.constant 0.000000e+00 : f32
    %broadcast_in_dim3A_24 = vector.broadcast %broadcast_in_dim3A_23 : f32 to vector<1x8xf32>
    %slice3A_25 = vector.extract_strided_slice %add3A_22 {offsets = [0, 0], sizes = [1, 2040], strides = [1, 1]} : vector<1x2048xf32> to vector<1x2040xf32>
    %concatenate3A_26 = tpu.concatenate %broadcast_in_dim3A_24, %slice3A_25 in 1 : vector<1x8xf32>, vector<1x2040xf32> -> vector<1x2048xf32>
    %add3A_27 = arith.addf %add3A_22, %concatenate3A_26 : vector<1x2048xf32>
    %broadcast_in_dim3A_28 = arith.constant 0.000000e+00 : f32
    %broadcast_in_dim3A_29 = vector.broadcast %broadcast_in_dim3A_28 : f32 to vector<1x16xf32>
    %slice3A_30 = vector.extract_strided_slice %add3A_27 {offsets = [0, 0], sizes = [1, 2032], strides = [1, 1]} : vector<1x2048xf32> to vector<1x2032xf32>
    %concatenate3A_31 = tpu.concatenate %broadcast_in_dim3A_29, %slice3A_30 in 1 : vector<1x16xf32>, vector<1x2032xf32> -> vector<1x2048xf32>
    %add3A_32 = arith.addf %add3A_27, %concatenate3A_31 : vector<1x2048xf32>
    %broadcast_in_dim3A_33 = arith.constant 0.000000e+00 : f32
    %broadcast_in_dim3A_34 = vector.broadcast %broadcast_in_dim3A_33 : f32 to vector<1x32xf32>
    %slice3A_35 = vector.extract_strided_slice %add3A_32 {offsets = [0, 0], sizes = [1, 2016], strides = [1, 1]} : vector<1x2048xf32> to vector<1x2016xf32>
    %concatenate3A_36 = tpu.concatenate %broadcast_in_dim3A_34, %slice3A_35 in 1 : vector<1x32xf32>, vector<1x2016xf32> -> vector<1x2048xf32>
    %add3A_37 = arith.addf %add3A_32, %concatenate3A_36 : vector<1x2048xf32>
    %broadcast_in_dim3A_38 = arith.constant 0.000000e+00 : f32
    %broadcast_in_dim3A_39 = vector.broadcast %broadcast_in_dim3A_38 : f32 to vector<1x64xf32>
    %slice3A_40 = vector.extract_strided_slice %add3A_37 {offsets = [0, 0], sizes = [1, 1984], strides = [1, 1]} : vector<1x2048xf32> to vector<1x1984xf32>
    %concatenate3A_41 = tpu.concatenate %broadcast_in_dim3A_39, %slice3A_40 in 1 : vector<1x64xf32>, vector<1x1984xf32> -> vector<1x2048xf32>
    %add3A_42 = arith.addf %add3A_37, %concatenate3A_41 : vector<1x2048xf32>
    %broadcast_in_dim3A_43 = arith.constant 0.000000e+00 : f32
    %broadcast_in_dim3A_44 = vector.broadcast %broadcast_in_dim3A_43 : f32 to vector<1x128xf32>
    %slice3A_45 = vector.extract_strided_slice %add3A_42 {offsets = [0, 0], sizes = [1, 1920], strides = [1, 1]} : vector<1x2048xf32> to vector<1x1920xf32>
    %concatenate3A_46 = tpu.concatenate %broadcast_in_dim3A_44, %slice3A_45 in 1 : vector<1x128xf32>, vector<1x1920xf32> -> vector<1x2048xf32>
    %add3A_47 = arith.addf %add3A_42, %concatenate3A_46 : vector<1x2048xf32>
    %broadcast_in_dim3A_48 = arith.constant 0.000000e+00 : f32
    %broadcast_in_dim3A_49 = vector.broadcast %broadcast_in_dim3A_48 : f32 to vector<1x256xf32>
    %slice3A_50 = vector.extract_strided_slice %add3A_47 {offsets = [0, 0], sizes = [1, 1792], strides = [1, 1]} : vector<1x2048xf32> to vector<1x1792xf32>
    %concatenate3A_51 = tpu.concatenate %broadcast_in_dim3A_49, %slice3A_50 in 1 : vector<1x256xf32>, vector<1x1792xf32> -> vector<1x2048xf32>
    %add3A_52 = arith.addf %add3A_47, %concatenate3A_51 : vector<1x2048xf32>
    %broadcast_in_dim3A_53 = arith.constant 0.000000e+00 : f32
    %broadcast_in_dim3A_54 = vector.broadcast %broadcast_in_dim3A_53 : f32 to vector<1x512xf32>
    %slice3A_55 = vector.extract_strided_slice %add3A_52 {offsets = [0, 0], sizes = [1, 1536], strides = [1, 1]} : vector<1x2048xf32> to vector<1x1536xf32>
    %concatenate3A_56 = tpu.concatenate %broadcast_in_dim3A_54, %slice3A_55 in 1 : vector<1x512xf32>, vector<1x1536xf32> -> vector<1x2048xf32>
    %add3A_57 = arith.addf %add3A_52, %concatenate3A_56 : vector<1x2048xf32>
    %broadcast_in_dim3A_58 = arith.constant 0.000000e+00 : f32
    %broadcast_in_dim3A_59 = vector.broadcast %broadcast_in_dim3A_58 : f32 to vector<1x1024xf32>
    %slice3A_60 = vector.extract_strided_slice %add3A_57 {offsets = [0, 0], sizes = [1, 1024], strides = [1, 1]} : vector<1x2048xf32> to vector<1x1024xf32>
    %concatenate3A_61 = tpu.concatenate %broadcast_in_dim3A_59, %slice3A_60 in 1 : vector<1x1024xf32>, vector<1x1024xf32> -> vector<1x2048xf32>
    %add3A_62 = arith.addf %add3A_57, %concatenate3A_61 : vector<1x2048xf32>
    %reduce_sum3A = vector.shape_cast %convert_element_type3A_11 : vector<1x2048xf32> to vector<1x1x2048xf32>
    %reduce_sum3A_63 = arith.constant dense<0.000000e+00> : vector<1xf32>
    %reduce_sum3A_64 = vector.multi_reduction <add>, %reduce_sum3A, %reduce_sum3A_63 [1, 2] : vector<1x1x2048xf32> to vector<1xf32>
    %reduce_sum3A_65 = vector.shape_cast %reduce_sum3A_64 : vector<1xf32> to vector<1x1x1xf32>
    %reduce_sum3A_66 = vector.extract %reduce_sum3A_65[0, 0, 0] : f32 from vector<1x1x1xf32>
    %sub3A = arith.constant 1.000000e+00 : f32
    %sub3A_67 = vector.broadcast %sub3A : f32 to vector<1x2048xf32>
    %sub3A_68 = arith.subf %add3A_62, %sub3A_67 : vector<1x2048xf32>
    %le3A = arith.constant 0.000000e+00 : f32
    %le3A_69 = vector.broadcast %le3A : f32 to vector<1x2048xf32>
    %le3A_70 = arith.cmpf ole, %sub3A_68, %le3A_69 : vector<1x2048xf32>
    %mul3A = arith.constant 2.000000e+00 : f32
    %mul3A_71 = vector.broadcast %mul3A : f32 to vector<1x2048xf32>
    %mul3A_72 = arith.mulf %mul3A_71, %sub3A_68 : vector<1x2048xf32>
    %add3A_73 = arith.constant 3.200000e+01 : f32
    %add3A_74 = vector.broadcast %add3A_73 : f32 to vector<1x2048xf32>
    %add3A_75 = arith.addf %mul3A_72, %add3A_74 : vector<1x2048xf32>
    %jit3A = arith.constant 0.000000e+00 : f32
    %broadcast_in_dim3A_76 = vector.broadcast %jit3A : f32 to vector<1x2048xf32>
    %select_n3A = arith.select %le3A_70, %broadcast_in_dim3A_76, %add3A_75 : vector<1x2048xi1>, vector<1x2048xf32>
    %ge3A = arith.constant 2.047000e+03 : f32
    %ge3A_77 = vector.broadcast %ge3A : f32 to vector<1x2048xf32>
    %ge3A_78 = arith.cmpf oge, %sub3A_68, %ge3A_77 : vector<1x2048xf32>
    %mul3A_79 = arith.constant 2.000000e+00 : f32
    %mul3A_80 = vector.broadcast %mul3A_79 : f32 to vector<1x2048xf32>
    %mul3A_81 = arith.mulf %mul3A_80, %sub3A_68 : vector<1x2048xf32>
    %add3A_82 = arith.constant 3.300000e+01 : f32
    %add3A_83 = vector.broadcast %add3A_82 : f32 to vector<1x2048xf32>
    %add3A_84 = arith.addf %mul3A_81, %add3A_83 : vector<1x2048xf32>
    %jit3A_85 = arith.constant 4.159000e+03 : f32
    %broadcast_in_dim3A_86 = vector.broadcast %jit3A_85 : f32 to vector<1x2048xf32>
    %select_n3A_87 = arith.select %ge3A_78, %broadcast_in_dim3A_86, %add3A_84 : vector<1x2048xi1>, vector<1x2048xf32>
    %iota3A = tpu.iota {dimensions = array<i32: 0>} : vector<64x1xi32>
    %convert_element_type3A_88 = arith.sitofp %iota3A : vector<64x1xi32> to vector<64x1xf32>
    %mul3A_89 = arith.constant 6.500000e+01 : f32
    %mul3A_90 = vector.broadcast %mul3A_89 : f32 to vector<64x1xf32>
    %mul3A_91 = arith.mulf %convert_element_type3A_88, %mul3A_90 : vector<64x1xf32>
    %max3A = vector.broadcast %mul3A_91 : vector<64x1xf32> to vector<64x2048xf32>
    %max3A_92 = vector.broadcast %select_n3A : vector<1x2048xf32> to vector<64x2048xf32>
    %max3A_93 = arith.maximumf %max3A, %max3A_92 : vector<64x2048xf32>
    %add3A_94 = arith.constant 6.400000e+01 : f32
    %add3A_95 = vector.broadcast %add3A_94 : f32 to vector<64x1xf32>
    %add3A_96 = arith.addf %mul3A_91, %add3A_95 : vector<64x1xf32>
    %min3A = vector.broadcast %add3A_96 : vector<64x1xf32> to vector<64x2048xf32>
    %min3A_97 = vector.broadcast %select_n3A_87 : vector<1x2048xf32> to vector<64x2048xf32>
    %min3A_98 = arith.minimumf %min3A, %min3A_97 : vector<64x2048xf32>
    %sub3A_99 = arith.subf %min3A_98, %max3A_93 : vector<64x2048xf32>
    %add3A_100 = arith.constant 1.000000e+00 : f32
    %add3A_101 = vector.broadcast %add3A_100 : f32 to vector<64x2048xf32>
    %add3A_102 = arith.addf %sub3A_99, %add3A_101 : vector<64x2048xf32>
    %max3A_103 = arith.constant 0.000000e+00 : f32
    %max3A_104 = vector.broadcast %max3A_103 : f32 to vector<64x2048xf32>
    %max3A_105 = arith.maximumf %add3A_102, %max3A_104 : vector<64x2048xf32>
    %mul3A_106 = vector.broadcast %convert_element_type3A_11 : vector<1x2048xf32> to vector<64x2048xf32>
    %mul3A_107 = arith.mulf %max3A_105, %mul3A_106 : vector<64x2048xf32>
    %mul3A_108 = arith.constant 0.0153846154 : f32
    %mul3A_109 = vector.broadcast %mul3A_108 : f32 to vector<64x2048xf32>
    %mul3A_110 = arith.mulf %mul3A_107, %mul3A_109 : vector<64x2048xf32>
    %eq3A = arith.constant 0.000000e+00 : f32
    %eq3A_111 = arith.cmpf oeq, %reduce_sum3A_66, %eq3A : f32
    %ge3A_112 = arith.constant 2.048000e+03 : f32
    %ge3A_113 = arith.cmpf oge, %reduce_sum3A_66, %ge3A_112 : f32
    %mul3A_114 = arith.constant 2.000000e+00 : f32
    %mul3A_115 = arith.mulf %mul3A_114, %reduce_sum3A_66 : f32
    %add3A_116 = arith.constant 3.200000e+01 : f32
    %add3A_117 = arith.addf %mul3A_115, %add3A_116 : f32
    %jit3A_118 = arith.constant 4.160000e+03 : f32
    %select_n3A_119 = arith.select %ge3A_113, %jit3A_118, %add3A_117 : f32
    %jit3A_120 = arith.constant 0.000000e+00 : f32
    %select_n3A_121 = arith.select %eq3A_111, %jit3A_120, %select_n3A_119 : f32
    %iota3A_122 = tpu.iota {dimensions = array<i32: 1>} : vector<1x64xi32>
    %convert_element_type3A_123 = arith.sitofp %iota3A_122 : vector<1x64xi32> to vector<1x64xf32>
    %mul3A_124 = arith.constant 6.500000e+01 : f32
    %mul3A_125 = vector.broadcast %mul3A_124 : f32 to vector<1x64xf32>
    %mul3A_126 = arith.mulf %convert_element_type3A_123, %mul3A_125 : vector<1x64xf32>
    %add3A_127 = arith.constant 6.400000e+01 : f32
    %add3A_128 = vector.broadcast %add3A_127 : f32 to vector<1x64xf32>
    %add3A_129 = arith.addf %mul3A_126, %add3A_128 : vector<1x64xf32>
    %max3A_130 = vector.broadcast %select_n3A_121 : f32 to vector<1x64xf32>
    %max3A_131 = arith.maximumf %mul3A_126, %max3A_130 : vector<1x64xf32>
    %sub3A_132 = arith.subf %add3A_129, %max3A_131 : vector<1x64xf32>
    %add3A_133 = arith.constant 1.000000e+00 : f32
    %add3A_134 = vector.broadcast %add3A_133 : f32 to vector<1x64xf32>
    %add3A_135 = arith.addf %sub3A_132, %add3A_134 : vector<1x64xf32>
    %max3A_136 = arith.constant 0.000000e+00 : f32
    %max3A_137 = vector.broadcast %max3A_136 : f32 to vector<1x64xf32>
    %max3A_138 = arith.maximumf %add3A_135, %max3A_137 : vector<1x64xf32>
    %mul3A_139 = arith.constant 0.0153846154 : f32
    %mul3A_140 = vector.broadcast %mul3A_139 : f32 to vector<1x64xf32>
    %mul3A_141 = arith.mulf %max3A_138, %mul3A_140 : vector<1x64xf32>
    %iota3A_142 = tpu.iota {dimensions = array<i32: 1>} : vector<1x2048xi32>
    %convert_element_type3A_143 = arith.sitofp %iota3A_142 : vector<1x2048xi32> to vector<1x2048xf32>
    %mul3A_144 = vector.broadcast %convert_element_type3A_143 : vector<1x2048xf32> to vector<64x2048xf32>
    %mul3A_145 = arith.mulf %mul3A_110, %mul3A_144 : vector<64x2048xf32>
    %reduce_sum3A_146 = arith.constant dense<0.000000e+00> : vector<64xf32>
    %reduce_sum3A_147 = vector.multi_reduction <add>, %mul3A_145, %reduce_sum3A_146 [1] : vector<64x2048xf32> to vector<64xf32>
    %swap3A = arith.constant 0 : index
    %swap3A_148 = vector.load %arg3[%swap3A] : memref<64xf32, #tpu.memory_space<vmem>>, vector<64xf32>
    tpu.vector_store %arg3[%swap3A], %reduce_sum3A_147 {strides = array<i32>} : memref<64xf32, #tpu.memory_space<vmem>>, vector<64xf32>,
    %dma_wait3A = arith.constant 0 : i32
    %dma_wait3A_149 = arith.constant 0 : i32
    %dma_wait3A_150 = arith.constant 0 : i32
    %dma_wait3A_151 = tpu.memref_slice %arg0[%dma_wait3A, %dma_wait3A_149, %dma_wait3A_150] : memref<3x543x2048xf32, #tpu.memory_space<hbm>> -> memref<3x40x2048xf32, #tpu.memory_space<hbm>>
    tpu.wait_dma2 semaphore(%arg6 : memref<!tpu.dma_semaphore, #tpu.memory_space<semaphore_mem>>) src(%dma_wait3A_151 : memref<3x40x2048xf32, #tpu.memory_space<hbm>>) dst(%arg4 : memref<3x40x2048xf32, #tpu.memory_space<vmem>>)
    %dma_wait3A_152 = arith.constant 0 : i32
    %dma_wait3A_153 = arith.constant 464 : i32
    %dma_wait3A_154 = arith.constant 0 : i32
    %dma_wait3A_155 = tpu.memref_slice %arg0[%dma_wait3A_152, %dma_wait3A_153, %dma_wait3A_154] : memref<3x543x2048xf32, #tpu.memory_space<hbm>> -> memref<3x79x2048xf32, #tpu.memory_space<hbm>>
    tpu.wait_dma2 semaphore(%arg7 : memref<!tpu.dma_semaphore, #tpu.memory_space<semaphore_mem>>) src(%dma_wait3A_155 : memref<3x79x2048xf32, #tpu.memory_space<hbm>>) dst(%arg5 : memref<3x79x2048xf32, #tpu.memory_space<vmem>>)
    %get3A_156 = arith.constant 0 : index
    %get3A_157 = arith.constant 0 : index
    %get3A_158 = arith.constant 0 : index
    %get3A_159 = vector.load %arg4[%get3A_156, %get3A_157, %get3A_158] : memref<3x40x2048xf32, #tpu.memory_space<vmem>>, vector<1x40x2048xf32>
    %get3A_160 = vector.shape_cast %get3A_159 : vector<1x40x2048xf32> to vector<40x2048xf32>
    %get3A_161 = arith.constant 0 : index
    %get3A_162 = arith.constant 0 : index
    %get3A_163 = arith.constant 0 : index
    %get3A_164 = vector.load %arg5[%get3A_161, %get3A_162, %get3A_163] : memref<3x79x2048xf32, #tpu.memory_space<vmem>>, vector<1x79x2048xf32>
    %get3A_165 = vector.shape_cast %get3A_164 : vector<1x79x2048xf32> to vector<79x2048xf32>
    %dot_general3A = arith.constant dense<0.000000e+00> : vector<40x64xf32>
    %dot_general3A_166 = tpu.matmul %get3A_160, %mul3A_110, %dot_general3A {dimension_numbers = #tpu.dot_dimension_numbers<[1], [1], [0], [0], [0, 0, 1, 0], [], []>, transpose_lhs_hint = false} : vector<40x2048xf32>, vector<64x2048xf32>, vector<40x64xf32> -> vector<40x64xf32>
    %dot_general3A_167 = arith.constant dense<0.000000e+00> : vector<79x64xf32>
    %dot_general3A_168 = tpu.matmul %get3A_165, %mul3A_110, %dot_general3A_167 {dimension_numbers = #tpu.dot_dimension_numbers<[1], [1], [0], [0], [0, 0, 1, 0], [], []>, transpose_lhs_hint = false} : vector<79x2048xf32>, vector<64x2048xf32>, vector<79x64xf32> -> vector<79x64xf32>
    %slice3A_169 = vector.extract_strided_slice %get3A_160 {offsets = [0, 0], sizes = [40, 1], strides = [1, 1]} : vector<40x2048xf32> to vector<40x1xf32>
    %mul3A_170 = vector.broadcast %slice3A_169 : vector<40x1xf32> to vector<40x64xf32>
    %mul3A_171 = vector.broadcast %mul3A_141 : vector<1x64xf32> to vector<40x64xf32>
    %mul3A_172 = arith.mulf %mul3A_170, %mul3A_171 : vector<40x64xf32>
    %add3A_173 = arith.addf %dot_general3A_166, %mul3A_172 : vector<40x64xf32>
    %swap3A_174 = arith.constant 0 : index
    %swap3A_175 = arith.constant 0 : index
    %swap3A_176 = arith.constant 0 : index
    %swap3A_177 = vector.load %arg2[%swap3A_174, %swap3A_175, %swap3A_176] : memref<3x115x64xf32, #tpu.memory_space<vmem>>, vector<1x40x64xf32>
    %swap3A_178 = vector.shape_cast %swap3A_177 : vector<1x40x64xf32> to vector<40x64xf32>
    %swap3A_179 = vector.shape_cast %add3A_173 : vector<40x64xf32> to vector<1x40x64xf32>
    tpu.vector_store %arg2[%swap3A_174, %swap3A_175, %swap3A_176], %swap3A_179 {strides = array<i32>} : memref<3x115x64xf32, #tpu.memory_space<vmem>>, vector<1x40x64xf32>,
    %slice3A_180 = vector.extract_strided_slice %get3A_165 {offsets = [0, 0], sizes = [79, 1], strides = [1, 1]} : vector<79x2048xf32> to vector<79x1xf32>
    %mul3A_181 = vector.broadcast %slice3A_180 : vector<79x1xf32> to vector<79x64xf32>
    %mul3A_182 = vector.broadcast %mul3A_141 : vector<1x64xf32> to vector<79x64xf32>
    %mul3A_183 = arith.mulf %mul3A_181, %mul3A_182 : vector<79x64xf32>
    %add3A_184 = arith.addf %dot_general3A_168, %mul3A_183 : vector<79x64xf32>
    %slice3A_185 = vector.extract_strided_slice %add3A_184 {offsets = [4, 0], sizes = [75, 64], strides = [1, 1]} : vector<79x64xf32> to vector<75x64xf32>
    %swap3A_186 = arith.constant 0 : index
    %swap3A_187 = arith.constant 40 : index
    %swap3A_188 = arith.constant 0 : index
    %swap3A_189 = vector.load %arg2[%swap3A_186, %swap3A_187, %swap3A_188] : memref<3x115x64xf32, #tpu.memory_space<vmem>>, vector<1x75x64xf32>
    %swap3A_190 = vector.shape_cast %swap3A_189 : vector<1x75x64xf32> to vector<75x64xf32>
    %swap3A_191 = vector.shape_cast %slice3A_185 : vector<75x64xf32> to vector<1x75x64xf32>
    tpu.vector_store %arg2[%swap3A_186, %swap3A_187, %swap3A_188], %swap3A_191 {strides = array<i32>} : memref<3x115x64xf32, #tpu.memory_space<vmem>>, vector<1x75x64xf32>,
    %get3A_192 = arith.constant 1 : index
    %get3A_193 = arith.constant 0 : index
    %get3A_194 = arith.constant 0 : index
    %get3A_195 = vector.load %arg4[%get3A_192, %get3A_193, %get3A_194] : memref<3x40x2048xf32, #tpu.memory_space<vmem>>, vector<1x40x2048xf32>
    %get3A_196 = vector.shape_cast %get3A_195 : vector<1x40x2048xf32> to vector<40x2048xf32>
    %get3A_197 = arith.constant 1 : index
    %get3A_198 = arith.constant 0 : index
    %get3A_199 = arith.constant 0 : index
    %get3A_200 = vector.load %arg5[%get3A_197, %get3A_198, %get3A_199] : memref<3x79x2048xf32, #tpu.memory_space<vmem>>, vector<1x79x2048xf32>
    %get3A_201 = vector.shape_cast %get3A_200 : vector<1x79x2048xf32> to vector<79x2048xf32>
    %dot_general3A_202 = arith.constant dense<0.000000e+00> : vector<40x64xf32>
    %dot_general3A_203 = tpu.matmul %get3A_196, %mul3A_110, %dot_general3A_202 {dimension_numbers = #tpu.dot_dimension_numbers<[1], [1], [0], [0], [0, 0, 1, 0], [], []>, transpose_lhs_hint = false} : vector<40x2048xf32>, vector<64x2048xf32>, vector<40x64xf32> -> vector<40x64xf32>
    %dot_general3A_204 = arith.constant dense<0.000000e+00> : vector<79x64xf32>
    %dot_general3A_205 = tpu.matmul %get3A_201, %mul3A_110, %dot_general3A_204 {dimension_numbers = #tpu.dot_dimension_numbers<[1], [1], [0], [0], [0, 0, 1, 0], [], []>, transpose_lhs_hint = false} : vector<79x2048xf32>, vector<64x2048xf32>, vector<79x64xf32> -> vector<79x64xf32>
    %slice3A_206 = vector.extract_strided_slice %get3A_196 {offsets = [0, 0], sizes = [40, 1], strides = [1, 1]} : vector<40x2048xf32> to vector<40x1xf32>
    %mul3A_207 = vector.broadcast %slice3A_206 : vector<40x1xf32> to vector<40x64xf32>
    %mul3A_208 = vector.broadcast %mul3A_141 : vector<1x64xf32> to vector<40x64xf32>
    %mul3A_209 = arith.mulf %mul3A_207, %mul3A_208 : vector<40x64xf32>
    %add3A_210 = arith.addf %dot_general3A_203, %mul3A_209 : vector<40x64xf32>
    %swap3A_211 = arith.constant 1 : index
    %swap3A_212 = arith.constant 0 : index
    %swap3A_213 = arith.constant 0 : index
    %swap3A_214 = vector.load %arg2[%swap3A_211, %swap3A_212, %swap3A_213] : memref<3x115x64xf32, #tpu.memory_space<vmem>>, vector<1x40x64xf32>
    %swap3A_215 = vector.shape_cast %swap3A_214 : vector<1x40x64xf32> to vector<40x64xf32>
    %swap3A_216 = vector.shape_cast %add3A_210 : vector<40x64xf32> to vector<1x40x64xf32>
    tpu.vector_store %arg2[%swap3A_211, %swap3A_212, %swap3A_213], %swap3A_216 {strides = array<i32>} : memref<3x115x64xf32, #tpu.memory_space<vmem>>, vector<1x40x64xf32>,
    %slice3A_217 = vector.extract_strided_slice %get3A_201 {offsets = [0, 0], sizes = [79, 1], strides = [1, 1]} : vector<79x2048xf32> to vector<79x1xf32>
    %mul3A_218 = vector.broadcast %slice3A_217 : vector<79x1xf32> to vector<79x64xf32>
    %mul3A_219 = vector.broadcast %mul3A_141 : vector<1x64xf32> to vector<79x64xf32>
    %mul3A_220 = arith.mulf %mul3A_218, %mul3A_219 : vector<79x64xf32>
    %add3A_221 = arith.addf %dot_general3A_205, %mul3A_220 : vector<79x64xf32>
    %slice3A_222 = vector.extract_strided_slice %add3A_221 {offsets = [4, 0], sizes = [75, 64], strides = [1, 1]} : vector<79x64xf32> to vector<75x64xf32>
    %swap3A_223 = arith.constant 1 : index
    %swap3A_224 = arith.constant 40 : index
    %swap3A_225 = arith.constant 0 : index
    %swap3A_226 = vector.load %arg2[%swap3A_223, %swap3A_224, %swap3A_225] : memref<3x115x64xf32, #tpu.memory_space<vmem>>, vector<1x75x64xf32>
    %swap3A_227 = vector.shape_cast %swap3A_226 : vector<1x75x64xf32> to vector<75x64xf32>
    %swap3A_228 = vector.shape_cast %slice3A_222 : vector<75x64xf32> to vector<1x75x64xf32>
    tpu.vector_store %arg2[%swap3A_223, %swap3A_224, %swap3A_225], %swap3A_228 {strides = array<i32>} : memref<3x115x64xf32, #tpu.memory_space<vmem>>, vector<1x75x64xf32>,
    %get3A_229 = arith.constant 2 : index
    %get3A_230 = arith.constant 0 : index
    %get3A_231 = arith.constant 0 : index
    %get3A_232 = vector.load %arg4[%get3A_229, %get3A_230, %get3A_231] : memref<3x40x2048xf32, #tpu.memory_space<vmem>>, vector<1x40x2048xf32>
    %get3A_233 = vector.shape_cast %get3A_232 : vector<1x40x2048xf32> to vector<40x2048xf32>
    %get3A_234 = arith.constant 2 : index
    %get3A_235 = arith.constant 0 : index
    %get3A_236 = arith.constant 0 : index
    %get3A_237 = vector.load %arg5[%get3A_234, %get3A_235, %get3A_236] : memref<3x79x2048xf32, #tpu.memory_space<vmem>>, vector<1x79x2048xf32>
    %get3A_238 = vector.shape_cast %get3A_237 : vector<1x79x2048xf32> to vector<79x2048xf32>
    %dot_general3A_239 = arith.constant dense<0.000000e+00> : vector<40x64xf32>
    %dot_general3A_240 = tpu.matmul %get3A_233, %mul3A_110, %dot_general3A_239 {dimension_numbers = #tpu.dot_dimension_numbers<[1], [1], [0], [0], [0, 0, 1, 0], [], []>, transpose_lhs_hint = false} : vector<40x2048xf32>, vector<64x2048xf32>, vector<40x64xf32> -> vector<40x64xf32>
    %dot_general3A_241 = arith.constant dense<0.000000e+00> : vector<79x64xf32>
    %dot_general3A_242 = tpu.matmul %get3A_238, %mul3A_110, %dot_general3A_241 {dimension_numbers = #tpu.dot_dimension_numbers<[1], [1], [0], [0], [0, 0, 1, 0], [], []>, transpose_lhs_hint = false} : vector<79x2048xf32>, vector<64x2048xf32>, vector<79x64xf32> -> vector<79x64xf32>
    %slice3A_243 = vector.extract_strided_slice %get3A_233 {offsets = [0, 0], sizes = [40, 1], strides = [1, 1]} : vector<40x2048xf32> to vector<40x1xf32>
    %mul3A_244 = vector.broadcast %slice3A_243 : vector<40x1xf32> to vector<40x64xf32>
    %mul3A_245 = vector.broadcast %mul3A_141 : vector<1x64xf32> to vector<40x64xf32>
    %mul3A_246 = arith.mulf %mul3A_244, %mul3A_245 : vector<40x64xf32>
    %add3A_247 = arith.addf %dot_general3A_240, %mul3A_246 : vector<40x64xf32>
    %swap3A_248 = arith.constant 2 : index
    %swap3A_249 = arith.constant 0 : index
    %swap3A_250 = arith.constant 0 : index
    %swap3A_251 = vector.load %arg2[%swap3A_248, %swap3A_249, %swap3A_250] : memref<3x115x64xf32, #tpu.memory_space<vmem>>, vector<1x40x64xf32>
    %swap3A_252 = vector.shape_cast %swap3A_251 : vector<1x40x64xf32> to vector<40x64xf32>
    %swap3A_253 = vector.shape_cast %add3A_247 : vector<40x64xf32> to vector<1x40x64xf32>
    tpu.vector_store %arg2[%swap3A_248, %swap3A_249, %swap3A_250], %swap3A_253 {strides = array<i32>} : memref<3x115x64xf32, #tpu.memory_space<vmem>>, vector<1x40x64xf32>,
    %slice3A_254 = vector.extract_strided_slice %get3A_238 {offsets = [0, 0], sizes = [79, 1], strides = [1, 1]} : vector<79x2048xf32> to vector<79x1xf32>
    %mul3A_255 = vector.broadcast %slice3A_254 : vector<79x1xf32> to vector<79x64xf32>
    %mul3A_256 = vector.broadcast %mul3A_141 : vector<1x64xf32> to vector<79x64xf32>
    %mul3A_257 = arith.mulf %mul3A_255, %mul3A_256 : vector<79x64xf32>
    %add3A_258 = arith.addf %dot_general3A_242, %mul3A_257 : vector<79x64xf32>
    %slice3A_259 = vector.extract_strided_slice %add3A_258 {offsets = [4, 0], sizes = [75, 64], strides = [1, 1]} : vector<79x64xf32> to vector<75x64xf32>
    %swap3A_260 = arith.constant 2 : index
    %swap3A_261 = arith.constant 40 : index
    %swap3A_262 = arith.constant 0 : index
    %swap3A_263 = vector.load %arg2[%swap3A_260, %swap3A_261, %swap3A_262] : memref<3x115x64xf32, #tpu.memory_space<vmem>>, vector<1x75x64xf32>
    %swap3A_264 = vector.shape_cast %swap3A_263 : vector<1x75x64xf32> to vector<75x64xf32>
    %swap3A_265 = vector.shape_cast %slice3A_259 : vector<75x64xf32> to vector<1x75x64xf32>
    tpu.vector_store %arg2[%swap3A_260, %swap3A_261, %swap3A_262], %swap3A_265 {strides = array<i32>} : memref<3x115x64xf32, #tpu.memory_space<vmem>>, vector<1x75x64xf32>,
    return
  }
}

</mosaic_0001>

<sc_bundles>
// kernel: kernel.4.cloned.1.call-start
scs
__scs_entry_jumppad:
0x0: {  	(pc) =	sbr.rel $0x88, $3  }
0x1: {  	(tag) =	ssettag $0x0;
	lr =	simm.s32 $0x1  }
0x2: {  	[smem:$0x3FA0] =	sst lr;
	_ =	strace $0xD0000000  }
0x3: {  	_ = 	snop  }
0x4: {  	_ = 	snop  }
0x5: {  	_ = 	snop  }
0x6: {  	_ = 	snop  }
0x7: {  	_ = 	snop  }
__scs_overlays_trampoline_lowered:
0x8: {  	[smem:$0x3FAF] =	sst s0  }
0x9: {  	[smem:$0x3FB0] =	sst s1  }
0xa: {  	[smem:$0x3FB1] =	sst s2  }
0xb: {  	[smem:$0x3FB2] =	sst s3  }
0xc: {  	[smem:$0x3FB3] =	sst s4  }
0xd: {  	[smem:$0x3FB4] =	sst s5  }
0xe: {  	[smem:$0x3FB5] =	sst s6  }
0xf: {  	[smem:$0x3FB6] =	sst s7  }
0x10: {  	[smem:$0x3FB7] =	sst s8  }
0x11: {  	[smem:$0x3FB8] =	sst s9;
	s0 =	simm.s32 @!p0 $0x0  }
0x12: {  	s1 =	sld [smem:$0x3F9E];
	s0 =	simm.s32 @p0 $0x1  }
0x13: {  	[smem:$0x3FB9] =	sst s0;
	s0 =	simm.s32 @!p1 $0x0  }
0x14: {  	s2 =	sld [smem:$0x3F9D];
	s0 =	simm.s32 @p1 $0x1  }
0x15: {  	[smem:$0x3FBA] =	sst s0;
	s0 =	simm.s32 @!p2 $0x0  }
0x16: {  	s3 =	sld [smem:$0x3FDB];
	s0 =	simm.s32 @p2 $0x1  }
0x17: {  	s4 =	simm.s32 $0x1BF5;
	[smem:$0x3FBC] =	sst s0  }
0x18: {  	s0 =	sld [smem:$0x3F9F];
	_ =	swait.ge [sflag:s4], $0x0  }
0x19: {  	s7 =	sld [smem:$0x3FA0]  }
0x1a: {  	s8 =	sadd.s32 $0xFFFFE003, lr  }
0x1b: {  	s9 =	sadd.s32 $0xFFFFFEF7, lr;
	s5 =	simm.s32 $0xFFFFFFFF;
	p2 =	slt.u32 s8, $0xFFFFF086  }
0x1c: {  	p1 =	slt.u32 s9, $0xF7A;
	s5 =	simm.s32 @!p2 $0x0  }
0x1d: {  	s5 =	simm.s32 @p1 $0x1;
	p0 =	seq.s32 s7, s2  }
0x1e: {  	s7 =	smul.u32 @!p0 $0xF7A, s2;
	p2 =	seq.s32 @!p0 s5, $0x0  }
0x1f: {  	s9 =	smul.u32 $0xF7A, s1;
	s8 =	simm.s32 @!p0 $0x1BF5;
	p2 =	por !p2, p0  }
0x20: {  	[sflag:s8] =	ssyncset.s32 @!p0 $0xFFFFF086;
	s6 =	sadd.s32 @!p0 s3, s7;
	s7 =	simm.s32 @!p0 $0x108  }
0x21: {  	s3 =	sadd.s32 s3, s9;
	s6 =	sadd.s32 @!p0 $0x88, s6;
	s7 =	simm.s32 @p2 $0x1082  }
0x22: {  	[simem:s7], [sflag:s8] =	dma.local @!p0 [hbm:s6], $0xF7A  }
0x23: {  	s9 =	sor.u32 $0xD0000000, s2;
	s6 =	simm.s32 $0x108;
	_ =	swait.ge @!p0 [sflag:s8], $0x0  }
0x24: {  	s3 =	sadd.s32 $0x88, s3;
	s6 =	simm.s32 @!p1 $0x1082;
	[sflag:s4] =	ssyncset.s32 $0xFFFFF086  }
0x25: {  	[simem:s6], [sflag:s4] =	dma.local [hbm:s3], $0xF7A  }
0x26: {  	[smem:$0x3FA0] =	sst s1;
	(tag) =	ssettag s2;
	_ =	strace s9  }
0x27: {  	s1 =	sld [smem:$0x3FB0]  }
0x28: {  	s2 =	sld [smem:$0x3FB1]  }
0x29: {  	s4 =	sld [smem:$0x3FB3]  }
0x2a: {  	p0 =	seq.s32 s5, $0x0;
	s5 =	sld [smem:$0x3FB4]  }
0x2b: {  	s6 =	sld [smem:$0x3FB5]  }
0x2c: {  	s7 =	sld [smem:$0x3FB6]  }
0x2d: {  	s3 =	simm.s32 $0x108;
	s8 =	sld [smem:$0x3FB7]  }
0x2e: {  	s3 =	simm.s32 @!p0 $0x1082;
	s9 =	sld [smem:$0x3FB8]  }
0x2f: {  	lr =	sadd.s32 s0, s3;
	s0 =	sld [smem:$0x3FAF]  }
0x30: {  	s3 =	sld [smem:$0x3FB2]  }
0x31: {  	[smem:$0x3FBB] =	sst s10  }
0x32: {  	s10 =	sld [smem:$0x3FB9];
	_ =	sdelay $0x3  }
0x33: {  	p0 =	seq.s32 s10, $0x1;
	s10 =	sld [smem:$0x3FBB];
	_ =	sdelay $0x3  }
0x34: {  	[smem:$0x3FBB] =	sst s10  }
0x35: {  	s10 =	sld [smem:$0x3FBA];
	_ =	sdelay $0x3  }
0x36: {  	p1 =	seq.s32 s10, $0x1;
	s10 =	sld [smem:$0x3FBB];
	_ =	sdelay $0x3  }
0x37: {  	[smem:$0x3FBB] =	sst s10  }
0x38: {  	s10 =	sld [smem:$0x3FBC]  }
0x39: {  	_ = 	snop;
	(pc) =	sbr.ind lr, $3  }
0x3a: {  	_ = 	snop  }
0x3b: {  	_ = 	snop  }
0x3c: {  	p2 =	seq.s32 s10, $0x1;
	s10 =	sld [smem:$0x3FBB]  }
0x3d: {  	_ =	shalt  }
0x3e: {  	_ =	shalt  }
0x3f: {  	_ =	shalt  }
0x40: {  	_ =	shalt  }
0x41: {  	_ =	shalt  }
0x42: {  	_ =	shalt  }
0x43: {  	_ =	shalt  }
0x44: {  	_ =	shalt  }
0x45: {  	_ =	shalt  }
0x46: {  	_ =	shalt  }
0x47: {  	_ =	shalt  }
0x48: {  	_ =	shalt  }
0x49: {  	_ =	shalt  }
0x4a: {  	_ =	shalt  }
0x4b: {  	_ =	shalt  }
0x4c: {  	_ =	shalt  }
0x4d: {  	_ =	shalt  }
0x4e: {  	_ =	shalt  }
0x4f: {  	_ =	shalt  }
0x50: {  	_ =	shalt  }
0x51: {  	_ =	shalt  }
0x52: {  	_ =	shalt  }
0x53: {  	_ =	shalt  }
0x54: {  	_ =	shalt  }
0x55: {  	_ =	shalt  }
0x56: {  	_ =	shalt  }
0x57: {  	_ =	shalt  }
0x58: {  	_ =	shalt  }
0x59: {  	_ =	shalt  }
0x5a: {  	_ =	shalt  }
0x5b: {  	_ =	shalt  }
0x5c: {  	_ =	shalt  }
0x5d: {  	_ =	shalt  }
0x5e: {  	_ =	shalt  }
0x5f: {  	_ =	shalt  }
0x60: {  	_ =	shalt  }
0x61: {  	_ =	shalt  }
0x62: {  	_ =	shalt  }
0x63: {  	_ =	shalt  }
0x64: {  	_ =	shalt  }
0x65: {  	_ =	shalt  }
0x66: {  	_ =	shalt  }
0x67: {  	_ =	shalt  }
0x68: {  	_ =	shalt  }
0x69: {  	_ =	shalt  }
0x6a: {  	_ =	shalt  }
0x6b: {  	_ =	shalt  }
0x6c: {  	_ =	shalt  }
0x6d: {  	_ =	shalt  }
0x6e: {  	_ =	shalt  }
0x6f: {  	_ =	shalt  }
0x70: {  	_ =	shalt  }
0x71: {  	_ =	shalt  }
0x72: {  	_ =	shalt  }
0x73: {  	_ =	shalt  }
0x74: {  	_ =	shalt  }
0x75: {  	_ =	shalt  }
0x76: {  	_ =	shalt  }
0x77: {  	_ =	shalt  }
0x78: {  	_ =	shalt  }
0x79: {  	_ =	shalt  }
0x7a: {  	_ =	shalt  }
0x7b: {  	_ =	shalt  }
0x7c: {  	_ =	shalt  }
0x7d: {  	_ =	shalt  }
0x7e: {  	_ =	shalt  }
0x7f: {  	_ =	shalt  }
0x80: {  	_ =	shalt  }
0x81: {  	_ =	shalt  }
0x82: {  	_ =	shalt  }
0x83: {  	_ =	shalt  }
0x84: {  	_ =	shalt  }
0x85: {  	_ =	shalt  }
0x86: {  	_ =	shalt  }
0x87: {  	_ =	shalt  }
.Lfunc_end0:
.L_simem_size_0:
called_computation_lowered:
.L_overlay_start_0:
0x88: {  	s2 =	sld [smem:$0x3FD9]  }
0x89: {  	s3 =	sld [smem:$0x3FFE];
	_ =	sdelay $0x1  }
0x8a: {  	s1 =	srdreg.scid  }
0x8b: {  	s0 =	sand.u32 $0x1, s1  }
0x8c: {  	s14 =	sshll.u32 s0, $0xA;
	s2 =	sadd.s32 s3, s2  }
0x8d: {  	s2 =	sadd.s32 s2, s14  }
0x8e: {  	[smem:$0x3FC7] =	sst s2  }
0x8f: {  	_ = 	snop  }
0x90: {  	s2 =	sld [smem:$0x3FD0];
	_ =	sdelay $0x2  }
0x91: {  	s15 =	simm.s32 $0xA;
	s4 =	simm.s32 $0x10  }
0x92: {  	[smem:s4], [sflag:s15] =	dma.local [hbm:s2], $0x1  }
0x93: {  	_ =	swait.eq [sflag:s15], $0x1  }
0x94: {  	[sflag:s15] =	ssyncset.done $0x0  }
0x95: {  	[sflag:s15] =	ssyncadd.s32 $0xFFFFFFFF  }
0x96: {  	s16 =	sld [smem:$0x10];
	(tm) =	ssettm $0x1  }
0x97: {  	s17 =	sld [smem:$0x3FFB];
	_ =	sdelay $0x3  }
0x98: {  	_ =	strace s17  }
0x99: {  	s3 =	sld [smem:$0x3FFC];
	_ =	sdelay $0x3  }
0x9a: {  	_ =	strace s3  }
0x9b: {  	s3 =	sld [smem:$0x3FFD];
	_ =	sdelay $0x3  }
0x9c: {  	_ =	strace s3  }
0x9d: {  	_ =	strace $0x8FFFFFFF  }
0x9e: {  	s18 =	sld [smem:$0x3FDB];
	_ =	sdelay $0x1  }
0x9f: {  	s19 =	simm.s32 $_scs_section_size  }
0xa0: {  	s5 =	simm.s32 $_size__tile_overlayer_lowered;
	s6 =	simm.s32 $_tile_overlayer_lowered  }
0xa1: {  	s22 =	simm.s32 $0x1BFF;
	s21 =	sshll.u32 s6, $0x1;
	s3 =	sadd.s32 s19, s18  }
0xa2: {  	s7 =	simm.s32 $0x0;
	s20 =	sshll.u32 s5, $0x1;
	s5 =	sadd.s32 s21, s3  }
0xa3: {  	[timem:s7], [sflag:s22] =	dma.local [hbm:s5], s20  }
0xa4: {  	_ =	swait.ge [sflag:s22], s20  }
0xa5: {  	s4 =	ssub.s32 $0x0, s20;
	[sflag:s22] =	ssyncset.done $0x0  }
0xa6: {  	[sflag:s22] =	ssyncadd.s32 s4;
	_ =	sdelay $0x1  }
0xa7: {  	s23 =	simm.s32 $0x1B8B  }
0xa8: {  	_ =	swait.ge [sflag:s23], $0x1  }
0xa9: {  	[sflag:s23] =	ssyncset.done $0x0  }
0xaa: {  	s25 =	simm.s32 $0x1B8E;
	s24 =	sld [smem:$0x3FFE];
	[sflag:s23] =	ssyncadd.s32 $0xFFFFFFFF  }
0xab: {  	s26 =	simm.s32 $execute0_lowered;
	[smem:$0x3FD2] =	sst s25  }
0xac: {  	s5 =	sshll.u32 s26, $0x1;
	_ =	strace $0x80000046;
	[dreg:$0x1] =	wrdreg $0xFFFFFFFF  }
0xad: {  	s28 =	simm.s32 $_size_execute0_lowered;
	s3 =	sadd.s32 s3, s5;
	[dreg:$0x0] =	wrdreg $0x0  }
0xae: {  	s5 =	sshll.u32 s28, $0x1;
	[dreg:$0x2] =	wrdreg s3  }
0xaf: {  	[dreg:$0x3] =	wrdreg s5  }
0xb0: {  	[dreg:$0x4] =	wrdreg $0xC0  }
0xb1: {  	_ =	task [dreg:s7], $0x5FFFF  }
0xb2: {  	[dreg:$0x1] =	wrdreg $0xFFFFFFFF  }
0xb3: {  	[dreg:$0x0] =	wrdreg $0x60  }
0xb4: {  	[dreg:$0x2] =	wrdreg s24  }
0xb5: {  	[dreg:$0x3] =	wrdreg s16  }
0xb6: {  	[dreg:$0x4] =	wrdreg $0x9  }
0xb7: {  	_ =	task.clear_ibuf [dreg:s7], $0x5FFFF;
	_ =	strace $0x90000046  }
0xb8: {  	s29 =	simm.s32 $0x9;
	_ =	strace $0x80000048  }
0xb9: {  	_ =	swait.ge [sflag:s29], $0x1  }
0xba: {  	[sflag:s29] =	ssyncadd.s32 $0xFFFFFFFF  }
0xbb: {  	_ =	strace $0x90000048  }
0xbc: {  	_ =	sfence  }
0xbd: {  	s30 =	sld [smem:$0x0];
	_ =	sdelay $0x2  }
0xbe: {  	s31 =	sshll.u32 s1, $0xD;
	s1 =	sshrl.u32 s1, $0x2  }
0xbf: {  	s3 =	sand.u32 $0x4000, s31;
	s1 =	sadd.s32 s1, s30  }
0xc0: {  	s0 =	sor.u32 s3, s0;
	s1 =	sshll.u32 s1, $0x11  }
0xc1: {  	s0 =	sor.u32 s1, s0  }
0xc2: {  	s0 =	sadd.s32 $0x8F2B, s0  }
0xc3: {  	[sflag:s0] =	ssyncadd.remote.s32 $0x1  }
0xc4: {  	_ =	sfence.sel $0xFFFF  }
0xc5: {  	[dreg:$0x0] =	wrdreg $0xFFFFFFFF;
	(pc) =	sbr.abs _section_cstart, $3  }
0xc6: {  	[dreg:$0x1] =	wrdreg $0xFFFFFFFF  }
0xc7: {  	_ =	task.clear_ibuf [dreg:s7], $0x2FFFF;
	_ =	strace $0x9FFFFFFF  }
0xc8: {  	(tm) =	ssettm $0x7FFFFFFF  }
0xc9: {  	_ =	shalt  }
tec
execute0_lowered:
.L_overlay_start_1:
0x0: {  	(tag) =	ssettag $0x1  }
0x1: {  	s1 =	srdreg.scid;
	s5 =	rddreg [dreg:$0x0]  }
0x2: {  	s0 =	stileid.u32;
	s7 =	rddreg [dreg:$0x1];
	s2 =	simm.s32 $0x0  }
0x3: {  	s4 =	sand.u32 $0x1, s1;
	s28 =	sshll.u32 s0, $0x1;
	s1 =	rddreg [dreg:$0x2]  }
0x4: {  	s3 =	simm.s32 $0x1;
	[smem:$0x7FF] =	sst s2;
	s6 =	sor.u32 s4, s28  }
0x5: {  	p1 =	seq.s32 s4, $0x1;
	_ =	strace $0x80000047;
	p0 =	seq.s32 s6, $0x0  }
0x6: {  	s9 =	ssub.s32 $0x2, s4;
	s30 =	sshll.u32 s4, $0x6;
	p0 =	por !p0, !p1  }
0x7: {  	s10 =	sshrl.u32 s9, $0x1;
	s31 =	sor.u32 $0x10, s30;
	p0 =	por !p0, !p0  }
0x8: {  	s11 =	sor.u32 $0x20, s30;
	s12 =	sor.u32 $0x30, s30;
	s3 =	simm.s32 @!p0 $0x0  }
0x9: {  	s6 =	sshll.u32 s6, $0x3;
	s29 =	ssub.s32 s9, s10;
	s3 =	ssub.s32 s0, s3  }
0xa: {  	v3 =	vlaneseq.u32;
	s6 =	sadd.s32 s7, s6;
	s9 =	simm.s32 $0x4000;
	s8 =	sshll.u32 s3, $0x7  }
0xb: {  	v2 =	vor.u32 s11, v3;
	s10 =	simm.s32 $0x3C00;
	s11 =	simm.s32 $0x0;
	s8 =	sand.u32 $0x1FFFFF80, s8  }
0xc: {  	v4 =	vimm.s32 $0x0;
	s7 =	smax.u32 s29, $0x1;
	s3 =	simm.s32 $0x1;
	s5 =	sadd.s32 s8, s5  }
0xd: {  	v0 =	vor.u32 s30, v3;
	v1 =	vor.u32 s31, v3;
	v3 =	vor.u32 s12, v3;
	s8 =	simm.s32 $0x400;
	s4 =	sadd.s32 $0xC00, s5;
	s5 =	sadd.s32 $0x8400, s5  }
.LBB2_1:
0xe: {  	[tilespmem:s2], [sflag:$0x1] =	stream.strided.gather [hbm4b:s4+s8], $0x3C00, s9, s8, $0x38;
	[tilespmem:$0x4080] =	vst v63  }
0xf: {  	s12 =	simm.s32 $0x0  }
0x10: {  	s20 =	simm.s32 $0x80;
	s21 =	simm.s32 $0x100;
	v5 =	vor.u32 s12, v0  }
0x11: {  	v6 =	vor.u32 s20, v0;
	[tilespmem:s10], [sflag:$0x1] =	stream.linear.gather [hbm4b:s5+s2], $0x300, $0x38;
	[tilespmem:$0x4080] =	vst v63  }
0x12: {  	s22 =	simm.s32 $0x180;
	v7 =	vor.u32 s21, v0;
	_ =	swait.ge [sflag:s3], $0x3F00  }
0x13: {  	s23 =	simm.s32 $0x200;
	v8 =	vor.u32 s22, v0;
	[sflag:s3] =	ssyncset.done $0x0  }
0x14: {  	s24 =	simm.s32 $0x280;
	v9 =	vor.u32 s23, v0;
	[sflag:s3] =	ssyncadd.s32 $0xFFFFC100  }
0x15: {  	s25 =	simm.s32 $0x300;
	v11 =	vld.idx.msk [tilespmem:v5+s2+$0x0], $0xffff;
	v5 =	vor.u32 s24, v0  }
0x16: {  	s13 =	simm.s32 $0x380;
	v13 =	vld.idx.msk [tilespmem:v6+s2+$0x0], $0xffff;
	v6 =	vor.u32 s25, v0  }
0x17: {  	s26 =	simm.s32 $0x400;
	v15 =	vor.u32 s13, v0;
	v16 =	vld.idx.msk [tilespmem:v7+s2+$0x0], $0xffff  }
0x18: {  	s28 =	simm.s32 $0x480;
	v17 =	vor.u32 s26, v0;
	v10 =	vld.idx.msk [tilespmem:v8+s2+$0x0], $0xffff  }
0x19: {  	s29 =	simm.s32 $0x500;
	v12 =	vor.u32 s28, v0;
	v7 =	vld.idx.msk [tilespmem:v9+s2+$0x0], $0xffff  }
0x1a: {  	s30 =	simm.s32 $0x580;
	v14 =	vor.u32 s29, v0;
	v8 =	vimm.f32 $0.0e+00;
	v5 =	vld.idx.msk [tilespmem:v5+s2+$0x0], $0xffff  }
0x1b: {  	s31 =	simm.s32 $0x600;
	v9 =	vmax.f32 v8, v11;
	v8 =	vld.idx.msk [tilespmem:v6+s2+$0x0], $0xffff;
	v11 =	vor.u32 s30, v0  }
0x1c: {  	s14 =	simm.s32 $0x680;
	v6 =	vld.idx.msk [tilespmem:v15+s2+$0x0], $0xffff;
	v18 =	vmax.f32 v9, v13;
	v13 =	vor.u32 s31, v0  }
0x1d: {  	s12 =	simm.s32 $0x700;
	s13 =	simm.s32 $0x15;
	v15 =	vor.u32 s14, v0;
	v9 =	vld.idx.msk [tilespmem:v17+s2+$0x0], $0xffff;
	v16 =	vmax.f32 v18, v16  }
.LBB2_2:
0x1e: {  	p0 =	sne.s32 s13, $0x77;
	v17 =	vor.u32 s12, v0;
	s14 =	sadd.s32 $0x80, s12;
	v18 =	vld.idx.msk [tilespmem:v12+s2+$0x0], $0xffff;
	v12 =	vmax.f32 v16, v10  }
0x1f: {  	v16 =	vor.u32 s14, v0;
	s14 =	sadd.s32 $0x100, s12;
	v10 =	vld.idx.msk [tilespmem:v14+s2+$0x0], $0xffff;
	v14 =	vmax.f32 v12, v7  }
.Ltmp0:
0x20: {  	v12 =	vor.u32 s14, v0;
	s14 =	sadd.s32 $0x180, s12;
	v7 =	vld.idx.msk [tilespmem:v11+s2+$0x0], $0xffff;
	v11 =	vmax.f32 v14, v5;
	(pc) =	sbr.rel @p0 .LBB2_2-.Ltmp0, $4  }
0x21: {  	v14 =	vor.u32 s14, v0;
	s14 =	sadd.s32 $0x200, s12;
	v5 =	vld.idx.msk [tilespmem:v13+s2+$0x0], $0xffff;
	v8 =	vmax.f32 v11, v8  }
0x22: {  	v11 =	vor.u32 s14, v0;
	s14 =	sadd.s32 $0x280, s12;
	v19 =	vmax.f32 v8, v6;
	v8 =	vld.idx.msk [tilespmem:v15+s2+$0x0], $0xffff  }
0x23: {  	v6 =	vld.idx.msk [tilespmem:v17+s2+$0x0], $0xffff;
	v13 =	vor.u32 s14, v0;
	s14 =	sadd.s32 $0x300, s12;
	v17 =	vmax.f32 v19, v9  }
0x24: {  	s12 =	sshll.u32 s13, $0x7;
	s13 =	sadd.s32 $0x7, s13;
	v9 =	vld.idx.msk [tilespmem:v16+s2+$0x0], $0xffff;
	v15 =	vor.u32 s14, v0;
	v16 =	vmax.f32 v17, v18  }
0x25: {  	_ =	sdelay $0x2  }
0x26: {  	v10 =	vmax.f32 v16, v10  }
0x27: {  	v16 =	vor.u32 s12, v0;
	s13 =	sadd.s32 $0x80, s12;
	v12 =	vld.idx.msk [tilespmem:v12+s2+$0x0], $0xffff;
	v7 =	vmax.f32 v10, v7  }
0x28: {  	s31 =	sadd.s32 $0x100, s12;
	v14 =	vld.idx.msk [tilespmem:v14+s2+$0x0], $0xffff;
	v10 =	vor.u32 s13, v0;
	v5 =	vmax.f32 v7, v5  }
0x29: {  	s14 =	sadd.s32 $0x180, s12;
	v11 =	vld.idx.msk [tilespmem:v11+s2+$0x0], $0xffff;
	v7 =	vor.u32 s31, v0;
	v5 =	vmax.f32 v5, v8  }
0x2a: {  	s15 =	sadd.s32 $0x200, s12;
	v13 =	vld.idx.msk [tilespmem:v13+s2+$0x0], $0xffff;
	v8 =	vor.u32 s14, v0;
	v5 =	vmax.f32 v5, v6  }
0x2b: {  	s16 =	sadd.s32 $0x280, s12;
	v15 =	vld.idx.msk [tilespmem:v15+s2+$0x0], $0xffff;
	v6 =	vor.u32 s15, v0;
	v5 =	vmax.f32 v5, v9  }
0x2c: {  	s17 =	sadd.s32 $0x300, s12;
	v9 =	vld.idx.msk [tilespmem:v16+s2+$0x0], $0xffff;
	v16 =	vor.u32 s16, v0;
	v5 =	vmax.f32 v5, v12  }
0x2d: {  	v10 =	vld.idx.msk [tilespmem:v10+s2+$0x0], $0xffff;
	v12 =	vor.u32 s17, v0;
	v5 =	vmax.f32 v5, v14  }
0x2e: {  	v7 =	vld.idx.msk [tilespmem:v7+s2+$0x0], $0xffff;
	v5 =	vmax.f32 v5, v11  }
0x2f: {  	v8 =	vld.idx.msk [tilespmem:v8+s2+$0x0], $0xffff;
	v5 =	vmax.f32 v5, v13  }
0x30: {  	v6 =	vld.idx.msk [tilespmem:v6+s2+$0x0], $0xffff;
	v5 =	vmax.f32 v5, v15  }
0x31: {  	v11 =	vld.idx.msk [tilespmem:v16+s2+$0x0], $0xffff;
	v5 =	vmax.f32 v5, v9  }
0x32: {  	v9 =	vld.idx.msk [tilespmem:v12+s2+$0x0], $0xffff;
	v5 =	vmax.f32 v5, v10  }
0x33: {  	v5 =	vmax.f32 v5, v7  }
0x34: {  	v5 =	vmax.f32 v5, v8  }
0x35: {  	s18 =	simm.s32 $0x0;
	v5 =	vmax.f32 v5, v6  }
0x36: {  	s19 =	simm.s32 $0x80;
	v6 =	vor.u32 s18, v1;
	v5 =	vmax.f32 v5, v11  }
0x37: {  	s21 =	simm.s32 $0x180;
	v7 =	vor.u32 s19, v1;
	v5 =	vmax.f32 v5, v9  }
0x38: {  	s20 =	simm.s32 $0x100;
	v9 =	vor.u32 s21, v1;
	vm0 =	vgt.f32 v5, $0.0e+00  }
0x39: {  	s22 =	simm.s32 $0x200;
	v5 =	vor.u32 s20, v1;
	v8 =	vsel vm0, $0x1, v4  }
0x3a: {  	s24 =	simm.s32 $0x300;
	[tilespmem:$0x4000] =	vst v8;
	v8 =	vor.u32 s22, v1  }
0x3b: {  	s23 =	simm.s32 $0x280;
	v14 =	vor.u32 s24, v1;
	v6 =	vld.idx.msk [tilespmem:v6+s2+$0x0], $0xffff  }
0x3c: {  	s25 =	simm.s32 $0x380;
	v11 =	vor.u32 s23, v1;
	v13 =	vld.idx.msk [tilespmem:v7+s2+$0x0], $0xffff  }
0x3d: {  	s26 =	simm.s32 $0x400;
	v15 =	vor.u32 s25, v1;
	v10 =	vld.idx.msk [tilespmem:v9+s2+$0x0], $0xffff  }
0x3e: {  	s28 =	simm.s32 $0x480;
	v17 =	vor.u32 s26, v1;
	v16 =	vld.idx.msk [tilespmem:v5+s2+$0x0], $0xffff  }
0x3f: {  	s29 =	simm.s32 $0x500;
	v12 =	vor.u32 s28, v1;
	v7 =	vld.idx.msk [tilespmem:v8+s2+$0x0], $0xffff;
	v8 =	vimm.f32 $0.0e+00  }
0x40: {  	s30 =	simm.s32 $0x580;
	v9 =	vmax.f32 v8, v6;
	v8 =	vld.idx.msk [tilespmem:v14+s2+$0x0], $0xffff;
	v14 =	vor.u32 s29, v1  }
0x41: {  	s31 =	simm.s32 $0x600;
	v5 =	vld.idx.msk [tilespmem:v11+s2+$0x0], $0xffff;
	v11 =	vor.u32 s30, v1  }
0x42: {  	s14 =	simm.s32 $0x680;
	v6 =	vld.idx.msk [tilespmem:v15+s2+$0x0], $0xffff;
	v18 =	vmax.f32 v9, v13;
	v13 =	vor.u32 s31, v1  }
0x43: {  	s12 =	simm.s32 $0x700;
	s13 =	simm.s32 $0x15;
	v15 =	vor.u32 s14, v1;
	v9 =	vld.idx.msk [tilespmem:v17+s2+$0x0], $0xffff;
	v16 =	vmax.f32 v18, v16  }
.LBB2_4:
0x44: {  	p0 =	sne.s32 s13, $0x77;
	v17 =	vor.u32 s12, v1;
	s14 =	sadd.s32 $0x80, s12;
	v18 =	vld.idx.msk [tilespmem:v12+s2+$0x0], $0xffff;
	v12 =	vmax.f32 v16, v10  }
0x45: {  	v16 =	vor.u32 s14, v1;
	s14 =	sadd.s32 $0x100, s12;
	v10 =	vld.idx.msk [tilespmem:v14+s2+$0x0], $0xffff;
	v14 =	vmax.f32 v12, v7  }
.Ltmp1:
0x46: {  	v12 =	vor.u32 s14, v1;
	s14 =	sadd.s32 $0x180, s12;
	v7 =	vld.idx.msk [tilespmem:v11+s2+$0x0], $0xffff;
	v11 =	vmax.f32 v14, v5;
	(pc) =	sbr.rel @p0 .LBB2_4-.Ltmp1, $4  }
0x47: {  	v14 =	vor.u32 s14, v1;
	s14 =	sadd.s32 $0x200, s12;
	v5 =	vld.idx.msk [tilespmem:v13+s2+$0x0], $0xffff;
	v8 =	vmax.f32 v11, v8  }
0x48: {  	v11 =	vor.u32 s14, v1;
	s14 =	sadd.s32 $0x280, s12;
	v19 =	vmax.f32 v8, v6;
	v8 =	vld.idx.msk [tilespmem:v15+s2+$0x0], $0xffff  }
0x49: {  	v6 =	vld.idx.msk [tilespmem:v17+s2+$0x0], $0xffff;
	v13 =	vor.u32 s14, v1;
	s14 =	sadd.s32 $0x300, s12;
	v17 =	vmax.f32 v19, v9  }
0x4a: {  	s12 =	sshll.u32 s13, $0x7;
	s13 =	sadd.s32 $0x7, s13;
	v9 =	vld.idx.msk [tilespmem:v16+s2+$0x0], $0xffff;
	v15 =	vor.u32 s14, v1;
	v16 =	vmax.f32 v17, v18  }
0x4b: {  	_ =	sdelay $0x2  }
0x4c: {  	v10 =	vmax.f32 v16, v10  }
0x4d: {  	v16 =	vor.u32 s12, v1;
	s13 =	sadd.s32 $0x80, s12;
	v12 =	vld.idx.msk [tilespmem:v12+s2+$0x0], $0xffff;
	v7 =	vmax.f32 v10, v7  }
0x4e: {  	s31 =	sadd.s32 $0x100, s12;
	v14 =	vld.idx.msk [tilespmem:v14+s2+$0x0], $0xffff;
	v10 =	vor.u32 s13, v1;
	v5 =	vmax.f32 v7, v5  }
0x4f: {  	s14 =	sadd.s32 $0x180, s12;
	v11 =	vld.idx.msk [tilespmem:v11+s2+$0x0], $0xffff;
	v7 =	vor.u32 s31, v1;
	v5 =	vmax.f32 v5, v8  }
0x50: {  	s15 =	sadd.s32 $0x200, s12;
	v13 =	vld.idx.msk [tilespmem:v13+s2+$0x0], $0xffff;
	v8 =	vor.u32 s14, v1;
	v5 =	vmax.f32 v5, v6  }
0x51: {  	s16 =	sadd.s32 $0x280, s12;
	v15 =	vld.idx.msk [tilespmem:v15+s2+$0x0], $0xffff;
	v6 =	vor.u32 s15, v1;
	v5 =	vmax.f32 v5, v9  }
0x52: {  	s17 =	sadd.s32 $0x300, s12;
	v9 =	vld.idx.msk [tilespmem:v16+s2+$0x0], $0xffff;
	v16 =	vor.u32 s16, v1;
	v5 =	vmax.f32 v5, v12  }
0x53: {  	v10 =	vld.idx.msk [tilespmem:v10+s2+$0x0], $0xffff;
	v12 =	vor.u32 s17, v1;
	v5 =	vmax.f32 v5, v14  }
0x54: {  	v7 =	vld.idx.msk [tilespmem:v7+s2+$0x0], $0xffff;
	v5 =	vmax.f32 v5, v11  }
0x55: {  	v8 =	vld.idx.msk [tilespmem:v8+s2+$0x0], $0xffff;
	v5 =	vmax.f32 v5, v13  }
0x56: {  	v6 =	vld.idx.msk [tilespmem:v6+s2+$0x0], $0xffff;
	v5 =	vmax.f32 v5, v15  }
0x57: {  	v11 =	vld.idx.msk [tilespmem:v16+s2+$0x0], $0xffff;
	v5 =	vmax.f32 v5, v9  }
0x58: {  	v9 =	vld.idx.msk [tilespmem:v12+s2+$0x0], $0xffff;
	v5 =	vmax.f32 v5, v10  }
0x59: {  	v5 =	vmax.f32 v5, v7  }
0x5a: {  	v5 =	vmax.f32 v5, v8  }
0x5b: {  	s18 =	simm.s32 $0x0;
	v5 =	vmax.f32 v5, v6  }
0x5c: {  	s19 =	simm.s32 $0x80;
	v6 =	vor.u32 s18, v2;
	v5 =	vmax.f32 v5, v11  }
0x5d: {  	s21 =	simm.s32 $0x180;
	v7 =	vor.u32 s19, v2;
	v5 =	vmax.f32 v5, v9  }
0x5e: {  	s20 =	simm.s32 $0x100;
	v9 =	vor.u32 s21, v2;
	vm0 =	vgt.f32 v5, $0.0e+00  }
0x5f: {  	s22 =	simm.s32 $0x200;
	v5 =	vor.u32 s20, v2;
	v8 =	vsel vm0, $0x1, v4  }
0x60: {  	s24 =	simm.s32 $0x300;
	[tilespmem:$0x4010] =	vst v8;
	v8 =	vor.u32 s22, v2  }
0x61: {  	s23 =	simm.s32 $0x280;
	v14 =	vor.u32 s24, v2;
	v6 =	vld.idx.msk [tilespmem:v6+s2+$0x0], $0xffff  }
0x62: {  	s25 =	simm.s32 $0x380;
	v11 =	vor.u32 s23, v2;
	v13 =	vld.idx.msk [tilespmem:v7+s2+$0x0], $0xffff  }
0x63: {  	s26 =	simm.s32 $0x400;
	v15 =	vor.u32 s25, v2;
	v10 =	vld.idx.msk [tilespmem:v9+s2+$0x0], $0xffff  }
0x64: {  	s28 =	simm.s32 $0x480;
	v17 =	vor.u32 s26, v2;
	v16 =	vld.idx.msk [tilespmem:v5+s2+$0x0], $0xffff  }
0x65: {  	s29 =	simm.s32 $0x500;
	v12 =	vor.u32 s28, v2;
	v7 =	vld.idx.msk [tilespmem:v8+s2+$0x0], $0xffff;
	v8 =	vimm.f32 $0.0e+00  }
0x66: {  	s30 =	simm.s32 $0x580;
	v9 =	vmax.f32 v8, v6;
	v8 =	vld.idx.msk [tilespmem:v14+s2+$0x0], $0xffff;
	v14 =	vor.u32 s29, v2  }
0x67: {  	s31 =	simm.s32 $0x600;
	v5 =	vld.idx.msk [tilespmem:v11+s2+$0x0], $0xffff;
	v11 =	vor.u32 s30, v2  }
0x68: {  	s14 =	simm.s32 $0x680;
	v6 =	vld.idx.msk [tilespmem:v15+s2+$0x0], $0xffff;
	v18 =	vmax.f32 v9, v13;
	v13 =	vor.u32 s31, v2  }
0x69: {  	s12 =	simm.s32 $0x700;
	s13 =	simm.s32 $0x15;
	v15 =	vor.u32 s14, v2;
	v9 =	vld.idx.msk [tilespmem:v17+s2+$0x0], $0xffff;
	v16 =	vmax.f32 v18, v16  }
.LBB2_6:
0x6a: {  	p0 =	sne.s32 s13, $0x77;
	v17 =	vor.u32 s12, v2;
	s14 =	sadd.s32 $0x80, s12;
	v18 =	vld.idx.msk [tilespmem:v12+s2+$0x0], $0xffff;
	v12 =	vmax.f32 v16, v10  }
0x6b: {  	v16 =	vor.u32 s14, v2;
	s14 =	sadd.s32 $0x100, s12;
	v10 =	vld.idx.msk [tilespmem:v14+s2+$0x0], $0xffff;
	v14 =	vmax.f32 v12, v7  }
.Ltmp2:
0x6c: {  	v12 =	vor.u32 s14, v2;
	s14 =	sadd.s32 $0x180, s12;
	v7 =	vld.idx.msk [tilespmem:v11+s2+$0x0], $0xffff;
	v11 =	vmax.f32 v14, v5;
	(pc) =	sbr.rel @p0 .LBB2_6-.Ltmp2, $4  }
0x6d: {  	v14 =	vor.u32 s14, v2;
	s14 =	sadd.s32 $0x200, s12;
	v5 =	vld.idx.msk [tilespmem:v13+s2+$0x0], $0xffff;
	v8 =	vmax.f32 v11, v8  }
0x6e: {  	v11 =	vor.u32 s14, v2;
	s14 =	sadd.s32 $0x280, s12;
	v19 =	vmax.f32 v8, v6;
	v8 =	vld.idx.msk [tilespmem:v15+s2+$0x0], $0xffff  }
0x6f: {  	v6 =	vld.idx.msk [tilespmem:v17+s2+$0x0], $0xffff;
	v13 =	vor.u32 s14, v2;
	s14 =	sadd.s32 $0x300, s12;
	v17 =	vmax.f32 v19, v9  }
0x70: {  	s12 =	sshll.u32 s13, $0x7;
	s13 =	sadd.s32 $0x7, s13;
	v9 =	vld.idx.msk [tilespmem:v16+s2+$0x0], $0xffff;
	v15 =	vor.u32 s14, v2;
	v16 =	vmax.f32 v17, v18  }
0x71: {  	_ =	sdelay $0x2  }
0x72: {  	v10 =	vmax.f32 v16, v10  }
0x73: {  	v16 =	vor.u32 s12, v2;
	s13 =	sadd.s32 $0x80, s12;
	v12 =	vld.idx.msk [tilespmem:v12+s2+$0x0], $0xffff;
	v7 =	vmax.f32 v10, v7  }
0x74: {  	s31 =	sadd.s32 $0x100, s12;
	v14 =	vld.idx.msk [tilespmem:v14+s2+$0x0], $0xffff;
	v10 =	vor.u32 s13, v2;
	v5 =	vmax.f32 v7, v5  }
0x75: {  	s14 =	sadd.s32 $0x180, s12;
	v11 =	vld.idx.msk [tilespmem:v11+s2+$0x0], $0xffff;
	v7 =	vor.u32 s31, v2;
	v5 =	vmax.f32 v5, v8  }
0x76: {  	s15 =	sadd.s32 $0x200, s12;
	v13 =	vld.idx.msk [tilespmem:v13+s2+$0x0], $0xffff;
	v8 =	vor.u32 s14, v2;
	v5 =	vmax.f32 v5, v6  }
0x77: {  	s16 =	sadd.s32 $0x280, s12;
	v15 =	vld.idx.msk [tilespmem:v15+s2+$0x0], $0xffff;
	v6 =	vor.u32 s15, v2;
	v5 =	vmax.f32 v5, v9  }
0x78: {  	s17 =	sadd.s32 $0x300, s12;
	v9 =	vld.idx.msk [tilespmem:v16+s2+$0x0], $0xffff;
	v16 =	vor.u32 s16, v2;
	v5 =	vmax.f32 v5, v12  }
0x79: {  	v10 =	vld.idx.msk [tilespmem:v10+s2+$0x0], $0xffff;
	v12 =	vor.u32 s17, v2;
	v5 =	vmax.f32 v5, v14  }
0x7a: {  	v7 =	vld.idx.msk [tilespmem:v7+s2+$0x0], $0xffff;
	v5 =	vmax.f32 v5, v11  }
0x7b: {  	v8 =	vld.idx.msk [tilespmem:v8+s2+$0x0], $0xffff;
	v5 =	vmax.f32 v5, v13  }
0x7c: {  	v6 =	vld.idx.msk [tilespmem:v6+s2+$0x0], $0xffff;
	v5 =	vmax.f32 v5, v15  }
0x7d: {  	v11 =	vld.idx.msk [tilespmem:v16+s2+$0x0], $0xffff;
	v5 =	vmax.f32 v5, v9  }
0x7e: {  	v9 =	vld.idx.msk [tilespmem:v12+s2+$0x0], $0xffff;
	v5 =	vmax.f32 v5, v10  }
0x7f: {  	v5 =	vmax.f32 v5, v7  }
0x80: {  	v5 =	vmax.f32 v5, v8  }
0x81: {  	s18 =	simm.s32 $0x0;
	v5 =	vmax.f32 v5, v6  }
0x82: {  	s19 =	simm.s32 $0x80;
	v6 =	vor.u32 s18, v3;
	v5 =	vmax.f32 v5, v11  }
0x83: {  	s21 =	simm.s32 $0x180;
	v7 =	vor.u32 s19, v3;
	v5 =	vmax.f32 v5, v9  }
0x84: {  	s20 =	simm.s32 $0x100;
	v9 =	vor.u32 s21, v3;
	vm0 =	vgt.f32 v5, $0.0e+00  }
0x85: {  	s22 =	simm.s32 $0x200;
	v5 =	vor.u32 s20, v3;
	v8 =	vsel vm0, $0x1, v4  }
0x86: {  	s24 =	simm.s32 $0x300;
	[tilespmem:$0x4020] =	vst v8;
	v8 =	vor.u32 s22, v3  }
0x87: {  	s23 =	simm.s32 $0x280;
	v14 =	vor.u32 s24, v3;
	v6 =	vld.idx.msk [tilespmem:v6+s2+$0x0], $0xffff  }
0x88: {  	s25 =	simm.s32 $0x380;
	v11 =	vor.u32 s23, v3;
	v13 =	vld.idx.msk [tilespmem:v7+s2+$0x0], $0xffff  }
0x89: {  	s26 =	simm.s32 $0x400;
	v15 =	vor.u32 s25, v3;
	v10 =	vld.idx.msk [tilespmem:v9+s2+$0x0], $0xffff  }
0x8a: {  	s28 =	simm.s32 $0x480;
	v17 =	vor.u32 s26, v3;
	v16 =	vld.idx.msk [tilespmem:v5+s2+$0x0], $0xffff  }
0x8b: {  	s29 =	simm.s32 $0x500;
	v12 =	vor.u32 s28, v3;
	v7 =	vld.idx.msk [tilespmem:v8+s2+$0x0], $0xffff;
	v8 =	vimm.f32 $0.0e+00  }
0x8c: {  	s30 =	simm.s32 $0x580;
	v9 =	vmax.f32 v8, v6;
	v8 =	vld.idx.msk [tilespmem:v14+s2+$0x0], $0xffff;
	v14 =	vor.u32 s29, v3  }
0x8d: {  	s31 =	simm.s32 $0x600;
	v5 =	vld.idx.msk [tilespmem:v11+s2+$0x0], $0xffff;
	v11 =	vor.u32 s30, v3  }
0x8e: {  	s14 =	simm.s32 $0x680;
	v6 =	vld.idx.msk [tilespmem:v15+s2+$0x0], $0xffff;
	v18 =	vmax.f32 v9, v13;
	v13 =	vor.u32 s31, v3  }
0x8f: {  	s12 =	simm.s32 $0x700;
	s13 =	simm.s32 $0x15;
	v15 =	vor.u32 s14, v3;
	v9 =	vld.idx.msk [tilespmem:v17+s2+$0x0], $0xffff;
	v16 =	vmax.f32 v18, v16  }
.LBB2_8:
0x90: {  	p0 =	sne.s32 s13, $0x77;
	v17 =	vor.u32 s12, v3;
	s14 =	sadd.s32 $0x80, s12;
	v18 =	vld.idx.msk [tilespmem:v12+s2+$0x0], $0xffff;
	v12 =	vmax.f32 v16, v10  }
0x91: {  	v16 =	vor.u32 s14, v3;
	s14 =	sadd.s32 $0x100, s12;
	v10 =	vld.idx.msk [tilespmem:v14+s2+$0x0], $0xffff;
	v14 =	vmax.f32 v12, v7  }
.Ltmp3:
0x92: {  	v12 =	vor.u32 s14, v3;
	s14 =	sadd.s32 $0x180, s12;
	v7 =	vld.idx.msk [tilespmem:v11+s2+$0x0], $0xffff;
	v11 =	vmax.f32 v14, v5;
	(pc) =	sbr.rel @p0 .LBB2_8-.Ltmp3, $4  }
0x93: {  	v14 =	vor.u32 s14, v3;
	s14 =	sadd.s32 $0x200, s12;
	v5 =	vld.idx.msk [tilespmem:v13+s2+$0x0], $0xffff;
	v8 =	vmax.f32 v11, v8  }
0x94: {  	v11 =	vor.u32 s14, v3;
	s14 =	sadd.s32 $0x280, s12;
	v19 =	vmax.f32 v8, v6;
	v8 =	vld.idx.msk [tilespmem:v15+s2+$0x0], $0xffff  }
0x95: {  	v6 =	vld.idx.msk [tilespmem:v17+s2+$0x0], $0xffff;
	v13 =	vor.u32 s14, v3;
	s14 =	sadd.s32 $0x300, s12;
	v17 =	vmax.f32 v19, v9  }
0x96: {  	s12 =	sshll.u32 s13, $0x7;
	s13 =	sadd.s32 $0x7, s13;
	v9 =	vld.idx.msk [tilespmem:v16+s2+$0x0], $0xffff;
	v15 =	vor.u32 s14, v3;
	v16 =	vmax.f32 v17, v18  }
0x97: {  	_ =	sdelay $0x2  }
0x98: {  	v10 =	vmax.f32 v16, v10  }
0x99: {  	v56 =	vor.u32 s12, v3;
	s13 =	sadd.s32 $0x80, s12;
	v12 =	vld.idx.msk [tilespmem:v12+s2+$0x0], $0xffff;
	v7 =	vmax.f32 v10, v7  }
0x9a: {  	s26 =	sadd.s32 $0x100, s12;
	v14 =	vld.idx.msk [tilespmem:v14+s2+$0x0], $0xffff;
	v57 =	vor.u32 s13, v3;
	v5 =	vmax.f32 v7, v5  }
0x9b: {  	s28 =	sadd.s32 $0x180, s12;
	v11 =	vld.idx.msk [tilespmem:v11+s2+$0x0], $0xffff;
	v7 =	vor.u32 s26, v3;
	v5 =	vmax.f32 v5, v8  }
0x9c: {  	s29 =	sadd.s32 $0x200, s12;
	v13 =	vld.idx.msk [tilespmem:v13+s2+$0x0], $0xffff;
	v58 =	vor.u32 s28, v3;
	v5 =	vmax.f32 v5, v6  }
0x9d: {  	s30 =	sadd.s32 $0x280, s12;
	v15 =	vld.idx.msk [tilespmem:v15+s2+$0x0], $0xffff;
	v6 =	vor.u32 s29, v3;
	v5 =	vmax.f32 v5, v9  }
0x9e: {  	s31 =	sadd.s32 $0x300, s12;
	v60 =	vor.u32 s30, v3;
	v59 =	vld.idx.msk [tilespmem:v56+s2+$0x0], $0xffff;
	v5 =	vmax.f32 v5, v12  }
0x9f: {  	v61 =	vor.u32 s31, v3;
	v10 =	vld.idx.msk [tilespmem:v57+s2+$0x0], $0xffff;
	v5 =	vmax.f32 v5, v14  }
0xa0: {  	v7 =	vld.idx.msk [tilespmem:v7+s2+$0x0], $0xffff;
	v5 =	vmax.f32 v5, v11  }
0xa1: {  	v8 =	vld.idx.msk [tilespmem:v58+s2+$0x0], $0xffff;
	v5 =	vmax.f32 v5, v13  }
0xa2: {  	v6 =	vld.idx.msk [tilespmem:v6+s2+$0x0], $0xffff;
	v5 =	vmax.f32 v5, v15  }
0xa3: {  	v62 =	vld.idx.msk [tilespmem:v60+s2+$0x0], $0xffff;
	v5 =	vmax.f32 v5, v59  }
0xa4: {  	v63 =	vld.idx.msk [tilespmem:v61+s2+$0x0], $0xffff;
	v5 =	vmax.f32 v5, v10  }
0xa5: {  	v5 =	vmax.f32 v5, v7  }
0xa6: {  	v5 =	vmax.f32 v5, v8  }
0xa7: {  	v5 =	vmax.f32 v5, v6  }
0xa8: {  	v5 =	vmax.f32 v5, v62  }
0xa9: {  	v5 =	vmax.f32 v5, v63  }
0xaa: {  	s11 =	sadd.s32 $0x1, s11;
	vm0 =	vgt.f32 v5, $0.0e+00  }
0xab: {  	p0 =	sne.s32 s11, s7;
	v5 =	vsel vm0, $0x1, v4  }
.Ltmp4:
0xac: {  	[tilespmem:$0x4030] =	vst v5;
	(pc) =	sbr.rel @p0 .LBB2_1-.Ltmp4, $4  }
0xad: {  	[hbm4b:s6+s2] =	stream.linear.scatter [tilespmem:s9], [sflag:$0x1], $0x40, $0x38;
	[tilespmem:$0x4080] =	vst v63  }
0xae: {  	_ =	swait.ge [sflag:s3], $0x40  }
0xaf: {  	[sflag:s3] =	ssyncset.done $0x0  }
0xb0: {  	[sflag:s3] =	ssyncadd.s32 $0xFFFFFFC0  }
0xb1: {  	_ =	sfence.sel $0x180000  }
0xb2: {  	[bflag:$0x0] =	sbarrier.arrive $0xFFFF  }
0xb3: {  	p0 =	sne.s32 s0, $0x0;
	_ =	strace $0x90000047  }
0xb4: {  	s0 =	sadd.s32 @!p0 $0x100000, s1;
	[bflag:$0x2] =	sbarrier.arrive $0xFFFF  }
0xb5: {  	[sflag:s0] =	ssyncadd.tile.s32 @!p0 $0x1;
	_ =	shalt  }
.Lfunc_end2:
_tile_overlayer_lowered:
.L_overlay_start_2:
0xb6: {  	(tag) =	ssettag $0x2  }
0xb7: {  	s0 =	rddreg [dreg:$0x0];
	s2 =	stileid.u32  }
0xb8: {  	s1 =	rddreg [dreg:$0x1];
	p0 =	sne.s32 s2, $0x0  }
0xb9: {  	s3 =	rddreg [dreg:$0x2];
	[bflag:$0x3] =	sbarrier.arrive $0xFFFF;
	s2 =	simm.s32 @!p0 $0x1C01  }
0xba: {  	[timem:s3], [sflag:s2] =	dma.local @!p0 [hbm:s0], s1  }
0xbb: {  	s0 =	simm.s32 @!p0 $0x1  }
0xbc: {  	_ =	swait.ge @!p0 [sflag:s0], s1  }
0xbd: {  	s1 =	ssub.s32 @!p0 $0x0, s1;
	[sflag:s0] =	ssyncset.done @!p0 $0x0  }
0xbe: {  	[sflag:s0] =	ssyncadd.s32 @!p0 s1  }
0xbf: {  	[bflag:$0x3] =	sbarrier.arrive $0xFFFF  }
0xc0: {  	_ =	shalt  }

</sc_bundles>
